<compile_context>
chip_gen: v7x
topology: tpu7x:2x2x1
jax: 0.10.2.dev20260603
libtpu: 0.0.44.dev20260713+nightly
codegen_flags: <defaults>
</compile_context>

<pallas_src>
import functools

import jax
import jax.numpy as jnp
import numpy as np
from jax import lax
from jax.experimental import pallas as pl
from jax.experimental.pallas import tpu as pltpu
from jax.experimental.pallas import tpu_sc as plsc

HIDDEN = 1024
CLUSTER_SIZE = 256
NUM_HEADS = 8
HEAD = HIDDEN // NUM_HEADS
L = 4096
WP = 288


def _static_layout():
    n_cluster = max(L // CLUSTER_SIZE, 1)
    np.random.seed(1)
    labels = np.random.randint(0, n_cluster, size=L)
    index = np.argsort(labels, kind="stable")
    window_sizes = np.bincount(labels).tolist()
    new_sizes = []
    for size in window_sizes:
        if size >= CLUSTER_SIZE * 2:
            num_splits = size // CLUSTER_SIZE
            quotient = size // num_splits
            remainder = size % num_splits
            new_sizes.extend(
                [quotient + 1 if i < remainder else quotient for i in range(num_splits)]
            )
        else:
            new_sizes.append(size)
    new_sizes = [s for s in new_sizes if s > 0]
    nw = len(new_sizes)
    assert max(new_sizes) <= WP
    padded_idx = np.zeros((nw * WP,), dtype=np.int32)
    compact_idx = np.zeros((L,), dtype=np.int32)
    mask = np.full((nw, 8, WP), -np.inf, dtype=np.float32)
    now = 0
    for w, size in enumerate(new_sizes):
        padded_idx[w * WP : w * WP + size] = index[now : now + size]
        padded_idx[w * WP + size : (w + 1) * WP] = index[now]
        compact_idx[now : now + size] = np.arange(w * WP, w * WP + size, dtype=np.int32)
        mask[w, :, :size] = 0.0
        now += size
    assert now == L
    return nw, padded_idx, compact_idx, mask


NW_WINDOWS, _PADDED_IDX, _COMPACT_IDX, _MASK = _static_layout()
LPAD = NW_WINDOWS * WP


@functools.lru_cache(maxsize=None)
def _make_sc_gather(V, D, B, CH, nbuf):
    info = plsc.get_sparse_core_info()
    n_workers = info.num_cores * info.num_subcores
    b_per_w = B // n_workers
    assert b_per_w * n_workers == B and b_per_w % CH == 0
    nch = b_per_w // CH
    mesh = plsc.VectorSubcoreMesh(core_axis_name="c", subcore_axis_name="s")

    @functools.partial(
        pl.kernel,
        mesh=mesh,
        out_type=jax.ShapeDtypeStruct((B, D), jnp.float32),
        scratch_types=[
            pltpu.VMEM((b_per_w,), jnp.int32),
        ]
        + [pltpu.VMEM((CH, D), jnp.float32) for _ in range(nbuf)]
        + [pltpu.SemaphoreType.DMA for _ in range(nbuf)],
    )
    def gather_k(table_hbm, idx_hbm, out_hbm, idx_v, *bufs_sems):
        bufs = bufs_sems[:nbuf]
        sems = bufs_sems[nbuf:]
        wid = lax.axis_index("s") * info.num_cores + lax.axis_index("c")
        base = wid * b_per_w
        pltpu.sync_copy(idx_hbm.at[pl.ds(base, b_per_w)], idx_v)
        if nbuf == 1:
            for c in range(nch):
                pltpu.async_copy(
                    table_hbm.at[idx_v.at[pl.ds(c * CH, CH)]], bufs[0], sems[0]
                ).wait()
                pltpu.sync_copy(bufs[0], out_hbm.at[pl.ds(base + c * CH, CH)])
        else:
            handles = [None] * nch
            handles[0] = pltpu.async_copy(
                table_hbm.at[idx_v.at[pl.ds(0, CH)]], bufs[0], sems[0]
            )
            for c in range(nch):
                handles[c].wait()
                if c + 1 < nch:
                    handles[c + 1] = pltpu.async_copy(
                        table_hbm.at[idx_v.at[pl.ds((c + 1) * CH, CH)]],
                        bufs[(c + 1) % nbuf],
                        sems[(c + 1) % nbuf],
                    )
                pltpu.sync_copy(bufs[c % nbuf], out_hbm.at[pl.ds(base + c * CH, CH)])

    return gather_k


_SCALE2 = np.float32(np.log2(np.e) / np.sqrt(HEAD))


WIN_PER_STEP = 4


def _tc_body(xp_ref, wqkv_ref, bqkv_ref, wout_ref, bout_ref, mask_ref, out_ref):
    xp = xp_ref[...]
    qkv = (
        jnp.dot(xp, wqkv_ref[...], preferred_element_type=jnp.float32)
        + bqkv_ref[0:1, :]
    )
    outs = []
    for w in range(WIN_PER_STEP):
        mask = mask_ref[w, 0:1, :]
        r0 = w * WP
        heads = []
        for h in range(NUM_HEADS):
            qh = qkv[r0 : r0 + WP, h * HEAD : (h + 1) * HEAD] * _SCALE2
            kh = qkv[r0 : r0 + WP, HIDDEN + h * HEAD : HIDDEN + (h + 1) * HEAD]
            vh = qkv[r0 : r0 + WP, 2 * HIDDEN + h * HEAD : 2 * HIDDEN + (h + 1) * HEAD]
            s = lax.dot_general(
                qh, kh, (((1,), (1,)), ((), ())), preferred_element_type=jnp.float32
            )
            m = jnp.max(s, axis=-1, keepdims=True)
            e = jnp.exp2(s - m + mask)
            r = 1.0 / jnp.sum(e, axis=-1, keepdims=True)
            pv = jnp.dot(e, vh, preferred_element_type=jnp.float32)
            heads.append(pv * r)
        outs.append(jnp.concatenate(heads, axis=1))
    hcat = jnp.concatenate(outs, axis=0)
    out_ref[...] = (
        jnp.dot(hcat, wout_ref[...], preferred_element_type=jnp.float32)
        + bout_ref[0:1, :]
        + xp
    )


def _fused_attention(xp_pad, W_qkv, bq2, W_out, bo2, mask):
    return pl.pallas_call(
        _tc_body,
        grid=(NW_WINDOWS // WIN_PER_STEP,),
        in_specs=[
            pl.BlockSpec((WIN_PER_STEP * WP, HIDDEN), lambda i: (i, 0)),
            pl.BlockSpec((HIDDEN, 3 * HIDDEN), lambda i: (0, 0)),
            pl.BlockSpec((8, 3 * HIDDEN), lambda i: (0, 0)),
            pl.BlockSpec((HIDDEN, HIDDEN), lambda i: (0, 0)),
            pl.BlockSpec((8, HIDDEN), lambda i: (0, 0)),
            pl.BlockSpec((WIN_PER_STEP, 8, WP), lambda i: (i, 0, 0)),
        ],
        out_specs=pl.BlockSpec((WIN_PER_STEP * WP, HIDDEN), lambda i: (i, 0)),
        out_shape=jax.ShapeDtypeStruct((LPAD, HIDDEN), jnp.float32),
    )(xp_pad, W_qkv, bq2, W_out, bo2, mask)


def kernel(x, coords, W_qkv, b_qkv, W_out, b_out):
    del coords
    x2 = x[0]
    padded_idx = jnp.asarray(_PADDED_IDX)
    compact_idx = jnp.asarray(_COMPACT_IDX)
    mask = jnp.asarray(_MASK)
    bq2 = jnp.broadcast_to(b_qkv, (8, 3 * HIDDEN))
    bo2 = jnp.broadcast_to(b_out, (8, HIDDEN))
    xp_pad = _make_sc_gather(L, HIDDEN, LPAD, 48, 2)(x2, padded_idx)
    out_pad = _fused_attention(xp_pad, W_qkv, bq2, W_out, bo2, mask)
    out = _make_sc_gather(LPAD, HIDDEN, L, 64, 1)(out_pad, compact_idx)
    return out[None]

# --- scband reference (transcript-rebuilt; emitter-appended) ---
"""Pipeline reference for scband-cluster-local-attention-22308060135461 (READ-ONLY COPY).

The authoritative reference and input builder live on the scoring server;
editing this copy changes nothing except your own understanding.
"""

import jax, jax.numpy as jnp
import numpy as np

HIDDEN = 1024
CLUSTER_SIZE = 256
NUM_HEADS = 8
HEAD = HIDDEN // NUM_HEADS
INNER = NUM_HEADS * HEAD


def _labels_and_windows(L):
    # Fallback path of the torch module: CUML/SKLEARN unavailable -> random labels
    n_cluster = L // CLUSTER_SIZE
    if n_cluster == 0:
        n_cluster = 1
    np.random.seed(1)
    labels = np.random.randint(0, n_cluster, size=L)
    index = np.argsort(labels, kind='stable').tolist()
    window_sizes = np.bincount(labels).tolist()
    window_sizes_new = []
    for size in window_sizes:
        if (size >= CLUSTER_SIZE * 2) if CLUSTER_SIZE else False:
            num_splits = size // CLUSTER_SIZE
            quotient = size // num_splits
            remainder = size % num_splits
            result = [quotient + 1 if i < remainder else quotient for i in range(num_splits)]
            window_sizes_new.extend(result)
        else:
            window_sizes_new.append(size)
    return index, window_sizes_new


def setup_inputs(seed: int = 0) -> dict:
    key = jax.random.key(seed)
    ks = jax.random.split(key, 6)
    x = jax.random.normal(ks[0], (1, 4096, HIDDEN), dtype=jnp.float32)
    coords = jax.random.uniform(ks[1], (1, 4096, 2), dtype=jnp.float32)
    W_qkv = jax.random.normal(ks[2], (HIDDEN, 3 * INNER), dtype=jnp.float32) * 0.02
    b_qkv = jnp.zeros((3 * INNER,), dtype=jnp.float32)
    W_out = jax.random.normal(ks[3], (INNER, HIDDEN), dtype=jnp.float32) * 0.02
    b_out = jnp.zeros((HIDDEN,), dtype=jnp.float32)
    return {"x": x, "coords": coords, "W_qkv": W_qkv, "b_qkv": b_qkv, "W_out": W_out, "b_out": b_out}


def reference(x, coords, W_qkv, b_qkv, W_out, b_out):
    B, L, C = x.shape
    # coords are only consumed by the (unavailable) kmeans path; fallback ignores them
    index, window_sizes = _labels_and_windows(L)
    xp = x[:, jnp.asarray(np.array(index, dtype=np.int64))]
    qkv = xp @ W_qkv + b_qkv
    q, k, v = jnp.split(qkv, 3, axis=-1)

    def to_heads(t):
        return t.reshape(B, L, NUM_HEADS, HEAD).transpose(0, 2, 1, 3)

    q, k, v = to_heads(q), to_heads(k), to_heads(v)
    outs = []
    now = 0
    for w in window_sizes:
        if w == 0:
            continue
        qi = q[:, :, now:now + w]
        ki = k[:, :, now:now + w]
        vi = v[:, :, now:now + w]
        scores = jnp.matmul(qi, ki.transpose(0, 1, 3, 2)) / np.sqrt(HEAD)
        probs = jax.nn.softmax(scores, axis=-1)
        outs.append(jnp.matmul(probs, vi))
        now += w
    h = jnp.concatenate(outs, axis=2)
    h = h.transpose(0, 2, 1, 3).reshape(B, L, INNER)
    out = h @ W_out + b_out + xp
    return out

if __name__ == "__main__":
    import jax
    _d = setup_inputs()
    print(jax.jit(kernel)(*tuple(_d.values())))

</pallas_src>

<mosaic_0001>
#map = affine_map<(d0, d1) -> (0, 0)>
#map1 = affine_map<(d0, d1) -> (0)>
module attributes {stable_mosaic.version = 14 : i64} {
  func.func @gather_k(%arg0: i32, %arg1: i32, %arg2: memref<4608x1024xf32, #tpu.memory_space<hbm>>, %arg3: memref<4096xi32, #tpu.memory_space<hbm>>, %arg4: memref<4096x1024xf32, #tpu.memory_space<hbm>>, %arg5: memref<128xi32, #tpu.memory_space<vmem>>, %arg6: memref<64x1024xf32, #tpu.memory_space<vmem>>, %arg7: memref<!tpu.dma_semaphore, #tpu.memory_space<semaphore_mem>>) attributes {dimension_semantics = [#tpu.dimension_semantics<core_parallel>, #tpu.dimension_semantics<subcore_parallel>], iteration_bounds = array<i64: 2, 16>, scalar_prefetch = 0 : i64, scratch_operands = 3 : i64, tpu.core_type = #tpu.core_type<sc_vector_subcore>, window_params = [{transform_indices = #map}, {transform_indices = #map1}, {transform_indices = #map}]} {
    %mul3A = arith.constant 2 : i32
    %mul3A_0 = arith.muli %arg1, %mul3A : i32
    %add3A = arith.addi %mul3A_0, %arg0 : i32
    %mul3A_1 = arith.constant 128 : i32
    %mul3A_2 = arith.muli %add3A, %mul3A_1 : i32
    "tpu.region"() ({
      %run_scoped3A = tpu.sem_alloc : memref<!tpu.dma_semaphore, #tpu.memory_space<semaphore_mem>>
      %dma_start3A_25 = tpu.memref_slice %arg3[%mul3A_2] : memref<4096xi32, #tpu.memory_space<hbm>> -> memref<128xi32, #tpu.memory_space<hbm>>
      %dma_start3A_26 = tpu.memref_slice %arg3[%mul3A_2] : memref<4096xi32, #tpu.memory_space<hbm>> -> memref<128xi32, #tpu.memory_space<hbm>>
      tpu.enqueue_dma source(%dma_start3A_26 : memref<128xi32, #tpu.memory_space<hbm>>) target(%arg5 : memref<128xi32, #tpu.memory_space<vmem>>) target_semaphore(%run_scoped3A : memref<!tpu.dma_semaphore, #tpu.memory_space<semaphore_mem>>)
      %dma_wait3A_27 = tpu.memref_slice %arg3[%mul3A_2] : memref<4096xi32, #tpu.memory_space<hbm>> -> memref<128xi32, #tpu.memory_space<hbm>>
      %dma_wait3A_28 = tpu.memref_slice %arg3[%mul3A_2] : memref<4096xi32, #tpu.memory_space<hbm>> -> memref<128xi32, #tpu.memory_space<hbm>>
      tpu.wait_dma2 semaphore(%run_scoped3A : memref<!tpu.dma_semaphore, #tpu.memory_space<semaphore_mem>>) src(%dma_wait3A_28 : memref<128xi32, #tpu.memory_space<hbm>>) dst(%arg5 : memref<128xi32, #tpu.memory_space<vmem>>)
      tpu.yield
    }) : () -> ()
    %dma_start3A = arith.constant 0 : i32
    %dma_start3A_3 = tpu.memref_slice %arg5[%dma_start3A] : memref<128xi32, #tpu.memory_space<vmem>> -> memref<64xi32, #tpu.memory_space<vmem>>
    %dma_start3A_4 = arith.constant 0 : i32
    %dma_start3A_5 = arith.constant 0 : i32
    %dma_start3A_6 = tpu.memref_slice %arg2[%dma_start3A_4, %dma_start3A_5] : memref<4608x1024xf32, #tpu.memory_space<hbm>> -> memref<4608x1024xf32, #tpu.memory_space<hbm>>
    tpu.enqueue_indirect_dma source(%dma_start3A_6 : memref<4608x1024xf32, #tpu.memory_space<hbm>>) target(%arg6 : memref<64x1024xf32, #tpu.memory_space<vmem>>) offsets(%dma_start3A_3 : memref<64xi32, #tpu.memory_space<vmem>>) semaphore(%arg7 : memref<!tpu.dma_semaphore, #tpu.memory_space<semaphore_mem>>)
    %dma_wait3A = arith.constant 0 : i32
    %dma_wait3A_7 = tpu.memref_slice %arg5[%dma_wait3A] : memref<128xi32, #tpu.memory_space<vmem>> -> memref<64xi32, #tpu.memory_space<vmem>>
    %dma_wait3A_8 = arith.constant 0 : i32
    %dma_wait3A_9 = arith.constant 0 : i32
    %dma_wait3A_10 = tpu.memref_slice %arg2[%dma_wait3A_8, %dma_wait3A_9] : memref<4608x1024xf32, #tpu.memory_space<hbm>> -> memref<4608x1024xf32, #tpu.memory_space<hbm>>
    tpu.wait_indirect_dma semaphore(%arg7 : memref<!tpu.dma_semaphore, #tpu.memory_space<semaphore_mem>>) src(%dma_wait3A_10 : memref<4608x1024xf32, #tpu.memory_space<hbm>>) dst(%arg6 : memref<64x1024xf32, #tpu.memory_space<vmem>>)
    %add3A_11 = arith.constant 0 : i32
    %add3A_12 = arith.addi %mul3A_2, %add3A_11 : i32
    "tpu.region"() ({
      %run_scoped3A = tpu.sem_alloc : memref<!tpu.dma_semaphore, #tpu.memory_space<semaphore_mem>>
      %dma_start3A_25 = arith.constant 0 : i32
      %dma_start3A_26 = tpu.memref_slice %arg4[%add3A_12, %dma_start3A_25] : memref<4096x1024xf32, #tpu.memory_space<hbm>> -> memref<64x1024xf32, #tpu.memory_space<hbm>>
      %dma_start3A_27 = arith.constant 0 : i32
      %dma_start3A_28 = tpu.memref_slice %arg4[%add3A_12, %dma_start3A_27] : memref<4096x1024xf32, #tpu.memory_space<hbm>> -> memref<64x1024xf32, #tpu.memory_space<hbm>>
      tpu.enqueue_dma source(%arg6 : memref<64x1024xf32, #tpu.memory_space<vmem>>) target(%dma_start3A_28 : memref<64x1024xf32, #tpu.memory_space<hbm>>) target_semaphore(%run_scoped3A : memref<!tpu.dma_semaphore, #tpu.memory_space<semaphore_mem>>)
      %dma_wait3A_29 = arith.constant 0 : i32
      %dma_wait3A_30 = tpu.memref_slice %arg4[%add3A_12, %dma_wait3A_29] : memref<4096x1024xf32, #tpu.memory_space<hbm>> -> memref<64x1024xf32, #tpu.memory_space<hbm>>
      %dma_wait3A_31 = arith.constant 0 : i32
      %dma_wait3A_32 = tpu.memref_slice %arg4[%add3A_12, %dma_wait3A_31] : memref<4096x1024xf32, #tpu.memory_space<hbm>> -> memref<64x1024xf32, #tpu.memory_space<hbm>>
      tpu.wait_dma2 semaphore(%run_scoped3A : memref<!tpu.dma_semaphore, #tpu.memory_space<semaphore_mem>>) src(%arg6 : memref<64x1024xf32, #tpu.memory_space<vmem>>) dst(%dma_wait3A_32 : memref<64x1024xf32, #tpu.memory_space<hbm>>)
      tpu.yield
    }) : () -> ()
    %dma_start3A_13 = arith.constant 64 : i32
    %dma_start3A_14 = tpu.memref_slice %arg5[%dma_start3A_13] : memref<128xi32, #tpu.memory_space<vmem>> -> memref<64xi32, #tpu.memory_space<vmem>>
    %dma_start3A_15 = arith.constant 0 : i32
    %dma_start3A_16 = arith.constant 0 : i32
    %dma_start3A_17 = tpu.memref_slice %arg2[%dma_start3A_15, %dma_start3A_16] : memref<4608x1024xf32, #tpu.memory_space<hbm>> -> memref<4608x1024xf32, #tpu.memory_space<hbm>>
    tpu.enqueue_indirect_dma source(%dma_start3A_17 : memref<4608x1024xf32, #tpu.memory_space<hbm>>) target(%arg6 : memref<64x1024xf32, #tpu.memory_space<vmem>>) offsets(%dma_start3A_14 : memref<64xi32, #tpu.memory_space<vmem>>) semaphore(%arg7 : memref<!tpu.dma_semaphore, #tpu.memory_space<semaphore_mem>>)
    %dma_wait3A_18 = arith.constant 64 : i32
    %dma_wait3A_19 = tpu.memref_slice %arg5[%dma_wait3A_18] : memref<128xi32, #tpu.memory_space<vmem>> -> memref<64xi32, #tpu.memory_space<vmem>>
    %dma_wait3A_20 = arith.constant 0 : i32
    %dma_wait3A_21 = arith.constant 0 : i32
    %dma_wait3A_22 = tpu.memref_slice %arg2[%dma_wait3A_20, %dma_wait3A_21] : memref<4608x1024xf32, #tpu.memory_space<hbm>> -> memref<4608x1024xf32, #tpu.memory_space<hbm>>
    tpu.wait_indirect_dma semaphore(%arg7 : memref<!tpu.dma_semaphore, #tpu.memory_space<semaphore_mem>>) src(%dma_wait3A_22 : memref<4608x1024xf32, #tpu.memory_space<hbm>>) dst(%arg6 : memref<64x1024xf32, #tpu.memory_space<vmem>>)
    %add3A_23 = arith.constant 64 : i32
    %add3A_24 = arith.addi %mul3A_2, %add3A_23 : i32
    "tpu.region"() ({
      %run_scoped3A = tpu.sem_alloc : memref<!tpu.dma_semaphore, #tpu.memory_space<semaphore_mem>>
      %dma_start3A_25 = arith.constant 0 : i32
      %dma_start3A_26 = tpu.memref_slice %arg4[%add3A_24, %dma_start3A_25] : memref<4096x1024xf32, #tpu.memory_space<hbm>> -> memref<64x1024xf32, #tpu.memory_space<hbm>>
      %dma_start3A_27 = arith.constant 0 : i32
      %dma_start3A_28 = tpu.memref_slice %arg4[%add3A_24, %dma_start3A_27] : memref<4096x1024xf32, #tpu.memory_space<hbm>> -> memref<64x1024xf32, #tpu.memory_space<hbm>>
      tpu.enqueue_dma source(%arg6 : memref<64x1024xf32, #tpu.memory_space<vmem>>) target(%dma_start3A_28 : memref<64x1024xf32, #tpu.memory_space<hbm>>) target_semaphore(%run_scoped3A : memref<!tpu.dma_semaphore, #tpu.memory_space<semaphore_mem>>)
      %dma_wait3A_29 = arith.constant 0 : i32
      %dma_wait3A_30 = tpu.memref_slice %arg4[%add3A_24, %dma_wait3A_29] : memref<4096x1024xf32, #tpu.memory_space<hbm>> -> memref<64x1024xf32, #tpu.memory_space<hbm>>
      %dma_wait3A_31 = arith.constant 0 : i32
      %dma_wait3A_32 = tpu.memref_slice %arg4[%add3A_24, %dma_wait3A_31] : memref<4096x1024xf32, #tpu.memory_space<hbm>> -> memref<64x1024xf32, #tpu.memory_space<hbm>>
      tpu.wait_dma2 semaphore(%run_scoped3A : memref<!tpu.dma_semaphore, #tpu.memory_space<semaphore_mem>>) src(%arg6 : memref<64x1024xf32, #tpu.memory_space<vmem>>) dst(%dma_wait3A_32 : memref<64x1024xf32, #tpu.memory_space<hbm>>)
      tpu.yield
    }) : () -> ()
    return
  }
}

#map = affine_map<(d0, d1) -> (0, 0)>
#map1 = affine_map<(d0, d1) -> (0)>
module attributes {stable_mosaic.version = 14 : i64} {
  func.func @gather_k(%arg0: i32, %arg1: i32, %arg2: memref<4096x1024xf32, #tpu.memory_space<hbm>>, %arg3: memref<4608xi32, #tpu.memory_space<hbm>>, %arg4: memref<4608x1024xf32, #tpu.memory_space<hbm>>, %arg5: memref<144xi32, #tpu.memory_space<vmem>>, %arg6: memref<48x1024xf32, #tpu.memory_space<vmem>>, %arg7: memref<48x1024xf32, #tpu.memory_space<vmem>>, %arg8: memref<!tpu.dma_semaphore, #tpu.memory_space<semaphore_mem>>, %arg9: memref<!tpu.dma_semaphore, #tpu.memory_space<semaphore_mem>>) attributes {dimension_semantics = [#tpu.dimension_semantics<core_parallel>, #tpu.dimension_semantics<subcore_parallel>], iteration_bounds = array<i64: 2, 16>, scalar_prefetch = 0 : i64, scratch_operands = 5 : i64, tpu.core_type = #tpu.core_type<sc_vector_subcore>, window_params = [{transform_indices = #map}, {transform_indices = #map1}, {transform_indices = #map}]} {
    %mul3A = arith.constant 2 : i32
    %mul3A_0 = arith.muli %arg1, %mul3A : i32
    %add3A = arith.addi %mul3A_0, %arg0 : i32
    %mul3A_1 = arith.constant 144 : i32
    %mul3A_2 = arith.muli %add3A, %mul3A_1 : i32
    "tpu.region"() ({
      %run_scoped3A = tpu.sem_alloc : memref<!tpu.dma_semaphore, #tpu.memory_space<semaphore_mem>>
      %dma_start3A_37 = tpu.memref_slice %arg3[%mul3A_2] : memref<4608xi32, #tpu.memory_space<hbm>> -> memref<144xi32, #tpu.memory_space<hbm>>
      %dma_start3A_38 = tpu.memref_slice %arg3[%mul3A_2] : memref<4608xi32, #tpu.memory_space<hbm>> -> memref<144xi32, #tpu.memory_space<hbm>>
      tpu.enqueue_dma source(%dma_start3A_38 : memref<144xi32, #tpu.memory_space<hbm>>) target(%arg5 : memref<144xi32, #tpu.memory_space<vmem>>) target_semaphore(%run_scoped3A : memref<!tpu.dma_semaphore, #tpu.memory_space<semaphore_mem>>)
      %dma_wait3A_39 = tpu.memref_slice %arg3[%mul3A_2] : memref<4608xi32, #tpu.memory_space<hbm>> -> memref<144xi32, #tpu.memory_space<hbm>>
      %dma_wait3A_40 = tpu.memref_slice %arg3[%mul3A_2] : memref<4608xi32, #tpu.memory_space<hbm>> -> memref<144xi32, #tpu.memory_space<hbm>>
      tpu.wait_dma2 semaphore(%run_scoped3A : memref<!tpu.dma_semaphore, #tpu.memory_space<semaphore_mem>>) src(%dma_wait3A_40 : memref<144xi32, #tpu.memory_space<hbm>>) dst(%arg5 : memref<144xi32, #tpu.memory_space<vmem>>)
      tpu.yield
    }) : () -> ()
    %dma_start3A = arith.constant 0 : i32
    %dma_start3A_3 = tpu.memref_slice %arg5[%dma_start3A] : memref<144xi32, #tpu.memory_space<vmem>> -> memref<48xi32, #tpu.memory_space<vmem>>
    %dma_start3A_4 = arith.constant 0 : i32
    %dma_start3A_5 = arith.constant 0 : i32
    %dma_start3A_6 = tpu.memref_slice %arg2[%dma_start3A_4, %dma_start3A_5] : memref<4096x1024xf32, #tpu.memory_space<hbm>> -> memref<4096x1024xf32, #tpu.memory_space<hbm>>
    tpu.enqueue_indirect_dma source(%dma_start3A_6 : memref<4096x1024xf32, #tpu.memory_space<hbm>>) target(%arg6 : memref<48x1024xf32, #tpu.memory_space<vmem>>) offsets(%dma_start3A_3 : memref<48xi32, #tpu.memory_space<vmem>>) semaphore(%arg8 : memref<!tpu.dma_semaphore, #tpu.memory_space<semaphore_mem>>)
    %dma_wait3A = arith.constant 0 : i32
    %dma_wait3A_7 = tpu.memref_slice %arg5[%dma_wait3A] : memref<144xi32, #tpu.memory_space<vmem>> -> memref<48xi32, #tpu.memory_space<vmem>>
    %dma_wait3A_8 = arith.constant 0 : i32
    %dma_wait3A_9 = arith.constant 0 : i32
    %dma_wait3A_10 = tpu.memref_slice %arg2[%dma_wait3A_8, %dma_wait3A_9] : memref<4096x1024xf32, #tpu.memory_space<hbm>> -> memref<4096x1024xf32, #tpu.memory_space<hbm>>
    tpu.wait_indirect_dma semaphore(%arg8 : memref<!tpu.dma_semaphore, #tpu.memory_space<semaphore_mem>>) src(%dma_wait3A_10 : memref<4096x1024xf32, #tpu.memory_space<hbm>>) dst(%arg6 : memref<48x1024xf32, #tpu.memory_space<vmem>>)
    %dma_start3A_11 = arith.constant 48 : i32
    %dma_start3A_12 = tpu.memref_slice %arg5[%dma_start3A_11] : memref<144xi32, #tpu.memory_space<vmem>> -> memref<48xi32, #tpu.memory_space<vmem>>
    %dma_start3A_13 = arith.constant 0 : i32
    %dma_start3A_14 = arith.constant 0 : i32
    %dma_start3A_15 = tpu.memref_slice %arg2[%dma_start3A_13, %dma_start3A_14] : memref<4096x1024xf32, #tpu.memory_space<hbm>> -> memref<4096x1024xf32, #tpu.memory_space<hbm>>
    tpu.enqueue_indirect_dma source(%dma_start3A_15 : memref<4096x1024xf32, #tpu.memory_space<hbm>>) target(%arg7 : memref<48x1024xf32, #tpu.memory_space<vmem>>) offsets(%dma_start3A_12 : memref<48xi32, #tpu.memory_space<vmem>>) semaphore(%arg9 : memref<!tpu.dma_semaphore, #tpu.memory_space<semaphore_mem>>)
    %add3A_16 = arith.constant 0 : i32
    %add3A_17 = arith.addi %mul3A_2, %add3A_16 : i32
    "tpu.region"() ({
      %run_scoped3A = tpu.sem_alloc : memref<!tpu.dma_semaphore, #tpu.memory_space<semaphore_mem>>
      %dma_start3A_37 = arith.constant 0 : i32
      %dma_start3A_38 = tpu.memref_slice %arg4[%add3A_17, %dma_start3A_37] : memref<4608x1024xf32, #tpu.memory_space<hbm>> -> memref<48x1024xf32, #tpu.memory_space<hbm>>
      %dma_start3A_39 = arith.constant 0 : i32
      %dma_start3A_40 = tpu.memref_slice %arg4[%add3A_17, %dma_start3A_39] : memref<4608x1024xf32, #tpu.memory_space<hbm>> -> memref<48x1024xf32, #tpu.memory_space<hbm>>
      tpu.enqueue_dma source(%arg6 : memref<48x1024xf32, #tpu.memory_space<vmem>>) target(%dma_start3A_40 : memref<48x1024xf32, #tpu.memory_space<hbm>>) target_semaphore(%run_scoped3A : memref<!tpu.dma_semaphore, #tpu.memory_space<semaphore_mem>>)
      %dma_wait3A_41 = arith.constant 0 : i32
      %dma_wait3A_42 = tpu.memref_slice %arg4[%add3A_17, %dma_wait3A_41] : memref<4608x1024xf32, #tpu.memory_space<hbm>> -> memref<48x1024xf32, #tpu.memory_space<hbm>>
      %dma_wait3A_43 = arith.constant 0 : i32
      %dma_wait3A_44 = tpu.memref_slice %arg4[%add3A_17, %dma_wait3A_43] : memref<4608x1024xf32, #tpu.memory_space<hbm>> -> memref<48x1024xf32, #tpu.memory_space<hbm>>
      tpu.wait_dma2 semaphore(%run_scoped3A : memref<!tpu.dma_semaphore, #tpu.memory_space<semaphore_mem>>) src(%arg6 : memref<48x1024xf32, #tpu.memory_space<vmem>>) dst(%dma_wait3A_44 : memref<48x1024xf32, #tpu.memory_space<hbm>>)
      tpu.yield
    }) : () -> ()
    %dma_wait3A_18 = arith.constant 48 : i32
    %dma_wait3A_19 = tpu.memref_slice %arg5[%dma_wait3A_18] : memref<144xi32, #tpu.memory_space<vmem>> -> memref<48xi32, #tpu.memory_space<vmem>>
    %dma_wait3A_20 = arith.constant 0 : i32
    %dma_wait3A_21 = arith.constant 0 : i32
    %dma_wait3A_22 = tpu.memref_slice %arg2[%dma_wait3A_20, %dma_wait3A_21] : memref<4096x1024xf32, #tpu.memory_space<hbm>> -> memref<4096x1024xf32, #tpu.memory_space<hbm>>
    tpu.wait_indirect_dma semaphore(%arg9 : memref<!tpu.dma_semaphore, #tpu.memory_space<semaphore_mem>>) src(%dma_wait3A_22 : memref<4096x1024xf32, #tpu.memory_space<hbm>>) dst(%arg7 : memref<48x1024xf32, #tpu.memory_space<vmem>>)
    %dma_start3A_23 = arith.constant 96 : i32
    %dma_start3A_24 = tpu.memref_slice %arg5[%dma_start3A_23] : memref<144xi32, #tpu.memory_space<vmem>> -> memref<48xi32, #tpu.memory_space<vmem>>
    %dma_start3A_25 = arith.constant 0 : i32
    %dma_start3A_26 = arith.constant 0 : i32
    %dma_start3A_27 = tpu.memref_slice %arg2[%dma_start3A_25, %dma_start3A_26] : memref<4096x1024xf32, #tpu.memory_space<hbm>> -> memref<4096x1024xf32, #tpu.memory_space<hbm>>
    tpu.enqueue_indirect_dma source(%dma_start3A_27 : memref<4096x1024xf32, #tpu.memory_space<hbm>>) target(%arg6 : memref<48x1024xf32, #tpu.memory_space<vmem>>) offsets(%dma_start3A_24 : memref<48xi32, #tpu.memory_space<vmem>>) semaphore(%arg8 : memref<!tpu.dma_semaphore, #tpu.memory_space<semaphore_mem>>)
    %add3A_28 = arith.constant 48 : i32
    %add3A_29 = arith.addi %mul3A_2, %add3A_28 : i32
    "tpu.region"() ({
      %run_scoped3A = tpu.sem_alloc : memref<!tpu.dma_semaphore, #tpu.memory_space<semaphore_mem>>
      %dma_start3A_37 = arith.constant 0 : i32
      %dma_start3A_38 = tpu.memref_slice %arg4[%add3A_29, %dma_start3A_37] : memref<4608x1024xf32, #tpu.memory_space<hbm>> -> memref<48x1024xf32, #tpu.memory_space<hbm>>
      %dma_start3A_39 = arith.constant 0 : i32
      %dma_start3A_40 = tpu.memref_slice %arg4[%add3A_29, %dma_start3A_39] : memref<4608x1024xf32, #tpu.memory_space<hbm>> -> memref<48x1024xf32, #tpu.memory_space<hbm>>
      tpu.enqueue_dma source(%arg7 : memref<48x1024xf32, #tpu.memory_space<vmem>>) target(%dma_start3A_40 : memref<48x1024xf32, #tpu.memory_space<hbm>>) target_semaphore(%run_scoped3A : memref<!tpu.dma_semaphore, #tpu.memory_space<semaphore_mem>>)
      %dma_wait3A_41 = arith.constant 0 : i32
      %dma_wait3A_42 = tpu.memref_slice %arg4[%add3A_29, %dma_wait3A_41] : memref<4608x1024xf32, #tpu.memory_space<hbm>> -> memref<48x1024xf32, #tpu.memory_space<hbm>>
      %dma_wait3A_43 = arith.constant 0 : i32
      %dma_wait3A_44 = tpu.memref_slice %arg4[%add3A_29, %dma_wait3A_43] : memref<4608x1024xf32, #tpu.memory_space<hbm>> -> memref<48x1024xf32, #tpu.memory_space<hbm>>
      tpu.wait_dma2 semaphore(%run_scoped3A : memref<!tpu.dma_semaphore, #tpu.memory_space<semaphore_mem>>) src(%arg7 : memref<48x1024xf32, #tpu.memory_space<vmem>>) dst(%dma_wait3A_44 : memref<48x1024xf32, #tpu.memory_space<hbm>>)
      tpu.yield
    }) : () -> ()
    %dma_wait3A_30 = arith.constant 96 : i32
    %dma_wait3A_31 = tpu.memref_slice %arg5[%dma_wait3A_30] : memref<144xi32, #tpu.memory_space<vmem>> -> memref<48xi32, #tpu.memory_space<vmem>>
    %dma_wait3A_32 = arith.constant 0 : i32
    %dma_wait3A_33 = arith.constant 0 : i32
    %dma_wait3A_34 = tpu.memref_slice %arg2[%dma_wait3A_32, %dma_wait3A_33] : memref<4096x1024xf32, #tpu.memory_space<hbm>> -> memref<4096x1024xf32, #tpu.memory_space<hbm>>
    tpu.wait_indirect_dma semaphore(%arg8 : memref<!tpu.dma_semaphore, #tpu.memory_space<semaphore_mem>>) src(%dma_wait3A_34 : memref<4096x1024xf32, #tpu.memory_space<hbm>>) dst(%arg6 : memref<48x1024xf32, #tpu.memory_space<vmem>>)
    %add3A_35 = arith.constant 96 : i32
    %add3A_36 = arith.addi %mul3A_2, %add3A_35 : i32
    "tpu.region"() ({
      %run_scoped3A = tpu.sem_alloc : memref<!tpu.dma_semaphore, #tpu.memory_space<semaphore_mem>>
      %dma_start3A_37 = arith.constant 0 : i32
      %dma_start3A_38 = tpu.memref_slice %arg4[%add3A_36, %dma_start3A_37] : memref<4608x1024xf32, #tpu.memory_space<hbm>> -> memref<48x1024xf32, #tpu.memory_space<hbm>>
      %dma_start3A_39 = arith.constant 0 : i32
      %dma_start3A_40 = tpu.memref_slice %arg4[%add3A_36, %dma_start3A_39] : memref<4608x1024xf32, #tpu.memory_space<hbm>> -> memref<48x1024xf32, #tpu.memory_space<hbm>>
      tpu.enqueue_dma source(%arg6 : memref<48x1024xf32, #tpu.memory_space<vmem>>) target(%dma_start3A_40 : memref<48x1024xf32, #tpu.memory_space<hbm>>) target_semaphore(%run_scoped3A : memref<!tpu.dma_semaphore, #tpu.memory_space<semaphore_mem>>)
      %dma_wait3A_41 = arith.constant 0 : i32
      %dma_wait3A_42 = tpu.memref_slice %arg4[%add3A_36, %dma_wait3A_41] : memref<4608x1024xf32, #tpu.memory_space<hbm>> -> memref<48x1024xf32, #tpu.memory_space<hbm>>
      %dma_wait3A_43 = arith.constant 0 : i32
      %dma_wait3A_44 = tpu.memref_slice %arg4[%add3A_36, %dma_wait3A_43] : memref<4608x1024xf32, #tpu.memory_space<hbm>> -> memref<48x1024xf32, #tpu.memory_space<hbm>>
      tpu.wait_dma2 semaphore(%run_scoped3A : memref<!tpu.dma_semaphore, #tpu.memory_space<semaphore_mem>>) src(%arg6 : memref<48x1024xf32, #tpu.memory_space<vmem>>) dst(%dma_wait3A_44 : memref<48x1024xf32, #tpu.memory_space<hbm>>)
      tpu.yield
    }) : () -> ()
    return
  }
}

module attributes {stable_mosaic.version = 14 : i64} {
  func.func @_tc_body(%arg0: i32, %arg1: memref<1152x1024xf32, #tpu.memory_space<vmem>>, %arg2: memref<1024x3072xf32, #tpu.memory_space<vmem>>, %arg3: memref<8x3072xf32, #tpu.memory_space<vmem>>, %arg4: memref<1024x1024xf32, #tpu.memory_space<vmem>>, %arg5: memref<8x1024xf32, #tpu.memory_space<vmem>>, %arg6: memref<4x8x288xf32, #tpu.memory_space<vmem>>, %arg7: memref<1152x1024xf32, #tpu.memory_space<vmem>>) attributes {dimension_semantics = [#tpu.dimension_semantics<arbitrary>], iteration_bounds = array<i64: 4>, scalar_prefetch = 0 : i64, scratch_operands = 0 : i64, tpu.core_type = #tpu.core_type<tc>, window_params = [{transform_indices = @transform_0, window_bounds = array<i64: 1152, 1024>}, {pipeline_mode = #tpu.pipeline_mode<synchronous>, transform_indices = @transform_1, window_bounds = array<i64: 1024, 3072>}, {pipeline_mode = #tpu.pipeline_mode<synchronous>, transform_indices = @transform_2, window_bounds = array<i64: 8, 3072>}, {pipeline_mode = #tpu.pipeline_mode<synchronous>, transform_indices = @transform_3, window_bounds = array<i64: 1024, 1024>}, {pipeline_mode = #tpu.pipeline_mode<synchronous>, transform_indices = @transform_4, window_bounds = array<i64: 8, 1024>}, {transform_indices = @transform_5, window_bounds = array<i64: 4, 8, 288>}, {transform_indices = @transform_6, window_bounds = array<i64: 1152, 1024>}]} {
    %get3A = arith.constant 0 : index
    %get3A_0 = arith.constant 0 : index
    %get3A_1 = vector.load %arg1[%get3A, %get3A_0] : memref<1152x1024xf32, #tpu.memory_space<vmem>>, vector<1152x1024xf32>
    %get3A_2 = arith.constant 0 : index
    %get3A_3 = arith.constant 0 : index
    %get3A_4 = vector.load %arg2[%get3A_2, %get3A_3] : memref<1024x3072xf32, #tpu.memory_space<vmem>>, vector<1024x3072xf32>
    %dot_general3A = arith.constant dense<0.000000e+00> : vector<1152x3072xf32>
    %dot_general3A_5 = tpu.matmul %get3A_1, %get3A_4, %dot_general3A {dimension_numbers = #tpu.dot_dimension_numbers<[1], [0], [0], [1], [0, 0, 1, 1], [], []>, transpose_lhs_hint = false} : vector<1152x1024xf32>, vector<1024x3072xf32>, vector<1152x3072xf32> -> vector<1152x3072xf32>
    %get3A_6 = arith.constant 0 : index
    %get3A_7 = arith.constant 0 : index
    %get3A_8 = vector.load %arg3[%get3A_6, %get3A_7] : memref<8x3072xf32, #tpu.memory_space<vmem>>, vector<1x3072xf32>
    %add3A = vector.broadcast %get3A_8 : vector<1x3072xf32> to vector<1152x3072xf32>
    %add3A_9 = arith.addf %dot_general3A_5, %add3A : vector<1152x3072xf32>
    %get3A_10 = arith.constant 0 : index
    %get3A_11 = arith.constant 0 : index
    %get3A_12 = arith.constant 0 : index
    %get3A_13 = vector.load %arg6[%get3A_10, %get3A_11, %get3A_12] : memref<4x8x288xf32, #tpu.memory_space<vmem>>, vector<1x1x288xf32>
    %get3A_14 = vector.shape_cast %get3A_13 : vector<1x1x288xf32> to vector<1x288xf32>
    %slice3A = vector.extract_strided_slice %add3A_9 {offsets = [0, 0], sizes = [288, 128], strides = [1, 1]} : vector<1152x3072xf32> to vector<288x128xf32>
    %mul3A = arith.constant 0.127517432 : f32
    %mul3A_15 = vector.broadcast %mul3A : f32 to vector<288x128xf32>
    %mul3A_16 = arith.mulf %slice3A, %mul3A_15 : vector<288x128xf32>
    %slice3A_17 = vector.extract_strided_slice %add3A_9 {offsets = [0, 1024], sizes = [288, 128], strides = [1, 1]} : vector<1152x3072xf32> to vector<288x128xf32>
    %slice3A_18 = vector.extract_strided_slice %add3A_9 {offsets = [0, 2048], sizes = [288, 128], strides = [1, 1]} : vector<1152x3072xf32> to vector<288x128xf32>
    %dot_general3A_19 = arith.constant dense<0.000000e+00> : vector<288x288xf32>
    %dot_general3A_20 = tpu.matmul %mul3A_16, %slice3A_17, %dot_general3A_19 {dimension_numbers = #tpu.dot_dimension_numbers<[1], [1], [0], [0], [0, 0, 1, 0], [], []>, transpose_lhs_hint = false} : vector<288x128xf32>, vector<288x128xf32>, vector<288x288xf32> -> vector<288x288xf32>
    %reduce_max3A = arith.constant dense<0xFF800000> : vector<288xf32>
    %reduce_max3A_21 = vector.multi_reduction <maximumf>, %dot_general3A_20, %reduce_max3A [1] : vector<288x288xf32> to vector<288xf32>
    %broadcast_in_dim3A = vector.shape_cast %reduce_max3A_21 : vector<288xf32> to vector<288x1xf32>
    %sub3A = vector.broadcast %broadcast_in_dim3A : vector<288x1xf32> to vector<288x288xf32>
    %sub3A_22 = arith.subf %dot_general3A_20, %sub3A : vector<288x288xf32>
    %add3A_23 = vector.broadcast %get3A_14 : vector<1x288xf32> to vector<288x288xf32>
    %add3A_24 = arith.addf %sub3A_22, %add3A_23 : vector<288x288xf32>
    %exp23A = math.exp2 %add3A_24 : vector<288x288xf32>
    %reduce_sum3A = arith.constant dense<0.000000e+00> : vector<288xf32>
    %reduce_sum3A_25 = vector.multi_reduction <add>, %exp23A, %reduce_sum3A [1] : vector<288x288xf32> to vector<288xf32>
    %broadcast_in_dim3A_26 = vector.shape_cast %reduce_sum3A_25 : vector<288xf32> to vector<288x1xf32>
    %div3A = arith.constant 1.000000e+00 : f32
    %div3A_27 = vector.broadcast %div3A : f32 to vector<288x1xf32>
    %div3A_28 = arith.divf %div3A_27, %broadcast_in_dim3A_26 : vector<288x1xf32>
    %dot_general3A_29 = arith.constant dense<0.000000e+00> : vector<288x128xf32>
    %dot_general3A_30 = tpu.matmul %exp23A, %slice3A_18, %dot_general3A_29 {dimension_numbers = #tpu.dot_dimension_numbers<[1], [0], [0], [1], [0, 0, 1, 1], [], []>, transpose_lhs_hint = false} : vector<288x288xf32>, vector<288x128xf32>, vector<288x128xf32> -> vector<288x128xf32>
    %mul3A_31 = vector.broadcast %div3A_28 : vector<288x1xf32> to vector<288x128xf32>
    %mul3A_32 = arith.mulf %dot_general3A_30, %mul3A_31 : vector<288x128xf32>
    %slice3A_33 = vector.extract_strided_slice %add3A_9 {offsets = [0, 128], sizes = [288, 128], strides = [1, 1]} : vector<1152x3072xf32> to vector<288x128xf32>
    %mul3A_34 = arith.constant 0.127517432 : f32
    %mul3A_35 = vector.broadcast %mul3A_34 : f32 to vector<288x128xf32>
    %mul3A_36 = arith.mulf %slice3A_33, %mul3A_35 : vector<288x128xf32>
    %slice3A_37 = vector.extract_strided_slice %add3A_9 {offsets = [0, 1152], sizes = [288, 128], strides = [1, 1]} : vector<1152x3072xf32> to vector<288x128xf32>
    %slice3A_38 = vector.extract_strided_slice %add3A_9 {offsets = [0, 2176], sizes = [288, 128], strides = [1, 1]} : vector<1152x3072xf32> to vector<288x128xf32>
    %dot_general3A_39 = arith.constant dense<0.000000e+00> : vector<288x288xf32>
    %dot_general3A_40 = tpu.matmul %mul3A_36, %slice3A_37, %dot_general3A_39 {dimension_numbers = #tpu.dot_dimension_numbers<[1], [1], [0], [0], [0, 0, 1, 0], [], []>, transpose_lhs_hint = false} : vector<288x128xf32>, vector<288x128xf32>, vector<288x288xf32> -> vector<288x288xf32>
    %reduce_max3A_41 = arith.constant dense<0xFF800000> : vector<288xf32>
    %reduce_max3A_42 = vector.multi_reduction <maximumf>, %dot_general3A_40, %reduce_max3A_41 [1] : vector<288x288xf32> to vector<288xf32>
    %broadcast_in_dim3A_43 = vector.shape_cast %reduce_max3A_42 : vector<288xf32> to vector<288x1xf32>
    %sub3A_44 = vector.broadcast %broadcast_in_dim3A_43 : vector<288x1xf32> to vector<288x288xf32>
    %sub3A_45 = arith.subf %dot_general3A_40, %sub3A_44 : vector<288x288xf32>
    %add3A_46 = vector.broadcast %get3A_14 : vector<1x288xf32> to vector<288x288xf32>
    %add3A_47 = arith.addf %sub3A_45, %add3A_46 : vector<288x288xf32>
    %exp23A_48 = math.exp2 %add3A_47 : vector<288x288xf32>
    %reduce_sum3A_49 = arith.constant dense<0.000000e+00> : vector<288xf32>
    %reduce_sum3A_50 = vector.multi_reduction <add>, %exp23A_48, %reduce_sum3A_49 [1] : vector<288x288xf32> to vector<288xf32>
    %broadcast_in_dim3A_51 = vector.shape_cast %reduce_sum3A_50 : vector<288xf32> to vector<288x1xf32>
    %div3A_52 = arith.constant 1.000000e+00 : f32
    %div3A_53 = vector.broadcast %div3A_52 : f32 to vector<288x1xf32>
    %div3A_54 = arith.divf %div3A_53, %broadcast_in_dim3A_51 : vector<288x1xf32>
    %dot_general3A_55 = arith.constant dense<0.000000e+00> : vector<288x128xf32>
    %dot_general3A_56 = tpu.matmul %exp23A_48, %slice3A_38, %dot_general3A_55 {dimension_numbers = #tpu.dot_dimension_numbers<[1], [0], [0], [1], [0, 0, 1, 1], [], []>, transpose_lhs_hint = false} : vector<288x288xf32>, vector<288x128xf32>, vector<288x128xf32> -> vector<288x128xf32>
    %mul3A_57 = vector.broadcast %div3A_54 : vector<288x1xf32> to vector<288x128xf32>
    %mul3A_58 = arith.mulf %dot_general3A_56, %mul3A_57 : vector<288x128xf32>
    %slice3A_59 = vector.extract_strided_slice %add3A_9 {offsets = [0, 256], sizes = [288, 128], strides = [1, 1]} : vector<1152x3072xf32> to vector<288x128xf32>
    %mul3A_60 = arith.constant 0.127517432 : f32
    %mul3A_61 = vector.broadcast %mul3A_60 : f32 to vector<288x128xf32>
    %mul3A_62 = arith.mulf %slice3A_59, %mul3A_61 : vector<288x128xf32>
    %slice3A_63 = vector.extract_strided_slice %add3A_9 {offsets = [0, 1280], sizes = [288, 128], strides = [1, 1]} : vector<1152x3072xf32> to vector<288x128xf32>
    %slice3A_64 = vector.extract_strided_slice %add3A_9 {offsets = [0, 2304], sizes = [288, 128], strides = [1, 1]} : vector<1152x3072xf32> to vector<288x128xf32>
    %dot_general3A_65 = arith.constant dense<0.000000e+00> : vector<288x288xf32>
    %dot_general3A_66 = tpu.matmul %mul3A_62, %slice3A_63, %dot_general3A_65 {dimension_numbers = #tpu.dot_dimension_numbers<[1], [1], [0], [0], [0, 0, 1, 0], [], []>, transpose_lhs_hint = false} : vector<288x128xf32>, vector<288x128xf32>, vector<288x288xf32> -> vector<288x288xf32>
    %reduce_max3A_67 = arith.constant dense<0xFF800000> : vector<288xf32>
    %reduce_max3A_68 = vector.multi_reduction <maximumf>, %dot_general3A_66, %reduce_max3A_67 [1] : vector<288x288xf32> to vector<288xf32>
    %broadcast_in_dim3A_69 = vector.shape_cast %reduce_max3A_68 : vector<288xf32> to vector<288x1xf32>
    %sub3A_70 = vector.broadcast %broadcast_in_dim3A_69 : vector<288x1xf32> to vector<288x288xf32>
    %sub3A_71 = arith.subf %dot_general3A_66, %sub3A_70 : vector<288x288xf32>
    %add3A_72 = vector.broadcast %get3A_14 : vector<1x288xf32> to vector<288x288xf32>
    %add3A_73 = arith.addf %sub3A_71, %add3A_72 : vector<288x288xf32>
    %exp23A_74 = math.exp2 %add3A_73 : vector<288x288xf32>
    %reduce_sum3A_75 = arith.constant dense<0.000000e+00> : vector<288xf32>
    %reduce_sum3A_76 = vector.multi_reduction <add>, %exp23A_74, %reduce_sum3A_75 [1] : vector<288x288xf32> to vector<288xf32>
    %broadcast_in_dim3A_77 = vector.shape_cast %reduce_sum3A_76 : vector<288xf32> to vector<288x1xf32>
    %div3A_78 = arith.constant 1.000000e+00 : f32
    %div3A_79 = vector.broadcast %div3A_78 : f32 to vector<288x1xf32>
    %div3A_80 = arith.divf %div3A_79, %broadcast_in_dim3A_77 : vector<288x1xf32>
    %dot_general3A_81 = arith.constant dense<0.000000e+00> : vector<288x128xf32>
    %dot_general3A_82 = tpu.matmul %exp23A_74, %slice3A_64, %dot_general3A_81 {dimension_numbers = #tpu.dot_dimension_numbers<[1], [0], [0], [1], [0, 0, 1, 1], [], []>, transpose_lhs_hint = false} : vector<288x288xf32>, vector<288x128xf32>, vector<288x128xf32> -> vector<288x128xf32>
    %mul3A_83 = vector.broadcast %div3A_80 : vector<288x1xf32> to vector<288x128xf32>
    %mul3A_84 = arith.mulf %dot_general3A_82, %mul3A_83 : vector<288x128xf32>
    %slice3A_85 = vector.extract_strided_slice %add3A_9 {offsets = [0, 384], sizes = [288, 128], strides = [1, 1]} : vector<1152x3072xf32> to vector<288x128xf32>
    %mul3A_86 = arith.constant 0.127517432 : f32
    %mul3A_87 = vector.broadcast %mul3A_86 : f32 to vector<288x128xf32>
    %mul3A_88 = arith.mulf %slice3A_85, %mul3A_87 : vector<288x128xf32>
    %slice3A_89 = vector.extract_strided_slice %add3A_9 {offsets = [0, 1408], sizes = [288, 128], strides = [1, 1]} : vector<1152x3072xf32> to vector<288x128xf32>
    %slice3A_90 = vector.extract_strided_slice %add3A_9 {offsets = [0, 2432], sizes = [288, 128], strides = [1, 1]} : vector<1152x3072xf32> to vector<288x128xf32>
    %dot_general3A_91 = arith.constant dense<0.000000e+00> : vector<288x288xf32>
    %dot_general3A_92 = tpu.matmul %mul3A_88, %slice3A_89, %dot_general3A_91 {dimension_numbers = #tpu.dot_dimension_numbers<[1], [1], [0], [0], [0, 0, 1, 0], [], []>, transpose_lhs_hint = false} : vector<288x128xf32>, vector<288x128xf32>, vector<288x288xf32> -> vector<288x288xf32>
    %reduce_max3A_93 = arith.constant dense<0xFF800000> : vector<288xf32>
    %reduce_max3A_94 = vector.multi_reduction <maximumf>, %dot_general3A_92, %reduce_max3A_93 [1] : vector<288x288xf32> to vector<288xf32>
    %broadcast_in_dim3A_95 = vector.shape_cast %reduce_max3A_94 : vector<288xf32> to vector<288x1xf32>
    %sub3A_96 = vector.broadcast %broadcast_in_dim3A_95 : vector<288x1xf32> to vector<288x288xf32>
    %sub3A_97 = arith.subf %dot_general3A_92, %sub3A_96 : vector<288x288xf32>
    %add3A_98 = vector.broadcast %get3A_14 : vector<1x288xf32> to vector<288x288xf32>
    %add3A_99 = arith.addf %sub3A_97, %add3A_98 : vector<288x288xf32>
    %exp23A_100 = math.exp2 %add3A_99 : vector<288x288xf32>
    %reduce_sum3A_101 = arith.constant dense<0.000000e+00> : vector<288xf32>
    %reduce_sum3A_102 = vector.multi_reduction <add>, %exp23A_100, %reduce_sum3A_101 [1] : vector<288x288xf32> to vector<288xf32>
    %broadcast_in_dim3A_103 = vector.shape_cast %reduce_sum3A_102 : vector<288xf32> to vector<288x1xf32>
    %div3A_104 = arith.constant 1.000000e+00 : f32
    %div3A_105 = vector.broadcast %div3A_104 : f32 to vector<288x1xf32>
    %div3A_106 = arith.divf %div3A_105, %broadcast_in_dim3A_103 : vector<288x1xf32>
    %dot_general3A_107 = arith.constant dense<0.000000e+00> : vector<288x128xf32>
    %dot_general3A_108 = tpu.matmul %exp23A_100, %slice3A_90, %dot_general3A_107 {dimension_numbers = #tpu.dot_dimension_numbers<[1], [0], [0], [1], [0, 0, 1, 1], [], []>, transpose_lhs_hint = false} : vector<288x288xf32>, vector<288x128xf32>, vector<288x128xf32> -> vector<288x128xf32>
    %mul3A_109 = vector.broadcast %div3A_106 : vector<288x1xf32> to vector<288x128xf32>
    %mul3A_110 = arith.mulf %dot_general3A_108, %mul3A_109 : vector<288x128xf32>
    %slice3A_111 = vector.extract_strided_slice %add3A_9 {offsets = [0, 512], sizes = [288, 128], strides = [1, 1]} : vector<1152x3072xf32> to vector<288x128xf32>
    %mul3A_112 = arith.constant 0.127517432 : f32
    %mul3A_113 = vector.broadcast %mul3A_112 : f32 to vector<288x128xf32>
    %mul3A_114 = arith.mulf %slice3A_111, %mul3A_113 : vector<288x128xf32>
    %slice3A_115 = vector.extract_strided_slice %add3A_9 {offsets = [0, 1536], sizes = [288, 128], strides = [1, 1]} : vector<1152x3072xf32> to vector<288x128xf32>
    %slice3A_116 = vector.extract_strided_slice %add3A_9 {offsets = [0, 2560], sizes = [288, 128], strides = [1, 1]} : vector<1152x3072xf32> to vector<288x128xf32>
    %dot_general3A_117 = arith.constant dense<0.000000e+00> : vector<288x288xf32>
    %dot_general3A_118 = tpu.matmul %mul3A_114, %slice3A_115, %dot_general3A_117 {dimension_numbers = #tpu.dot_dimension_numbers<[1], [1], [0], [0], [0, 0, 1, 0], [], []>, transpose_lhs_hint = false} : vector<288x128xf32>, vector<288x128xf32>, vector<288x288xf32> -> vector<288x288xf32>
    %reduce_max3A_119 = arith.constant dense<0xFF800000> : vector<288xf32>
    %reduce_max3A_120 = vector.multi_reduction <maximumf>, %dot_general3A_118, %reduce_max3A_119 [1] : vector<288x288xf32> to vector<288xf32>
    %broadcast_in_dim3A_121 = vector.shape_cast %reduce_max3A_120 : vector<288xf32> to vector<288x1xf32>
    %sub3A_122 = vector.broadcast %broadcast_in_dim3A_121 : vector<288x1xf32> to vector<288x288xf32>
    %sub3A_123 = arith.subf %dot_general3A_118, %sub3A_122 : vector<288x288xf32>
    %add3A_124 = vector.broadcast %get3A_14 : vector<1x288xf32> to vector<288x288xf32>
    %add3A_125 = arith.addf %sub3A_123, %add3A_124 : vector<288x288xf32>
    %exp23A_126 = math.exp2 %add3A_125 : vector<288x288xf32>
    %reduce_sum3A_127 = arith.constant dense<0.000000e+00> : vector<288xf32>
    %reduce_sum3A_128 = vector.multi_reduction <add>, %exp23A_126, %reduce_sum3A_127 [1] : vector<288x288xf32> to vector<288xf32>
    %broadcast_in_dim3A_129 = vector.shape_cast %reduce_sum3A_128 : vector<288xf32> to vector<288x1xf32>
    %div3A_130 = arith.constant 1.000000e+00 : f32
    %div3A_131 = vector.broadcast %div3A_130 : f32 to vector<288x1xf32>
    %div3A_132 = arith.divf %div3A_131, %broadcast_in_dim3A_129 : vector<288x1xf32>
    %dot_general3A_133 = arith.constant dense<0.000000e+00> : vector<288x128xf32>
    %dot_general3A_134 = tpu.matmul %exp23A_126, %slice3A_116, %dot_general3A_133 {dimension_numbers = #tpu.dot_dimension_numbers<[1], [0], [0], [1], [0, 0, 1, 1], [], []>, transpose_lhs_hint = false} : vector<288x288xf32>, vector<288x128xf32>, vector<288x128xf32> -> vector<288x128xf32>
    %mul3A_135 = vector.broadcast %div3A_132 : vector<288x1xf32> to vector<288x128xf32>
    %mul3A_136 = arith.mulf %dot_general3A_134, %mul3A_135 : vector<288x128xf32>
    %slice3A_137 = vector.extract_strided_slice %add3A_9 {offsets = [0, 640], sizes = [288, 128], strides = [1, 1]} : vector<1152x3072xf32> to vector<288x128xf32>
    %mul3A_138 = arith.constant 0.127517432 : f32
    %mul3A_139 = vector.broadcast %mul3A_138 : f32 to vector<288x128xf32>
    %mul3A_140 = arith.mulf %slice3A_137, %mul3A_139 : vector<288x128xf32>
    %slice3A_141 = vector.extract_strided_slice %add3A_9 {offsets = [0, 1664], sizes = [288, 128], strides = [1, 1]} : vector<1152x3072xf32> to vector<288x128xf32>
    %slice3A_142 = vector.extract_strided_slice %add3A_9 {offsets = [0, 2688], sizes = [288, 128], strides = [1, 1]} : vector<1152x3072xf32> to vector<288x128xf32>
    %dot_general3A_143 = arith.constant dense<0.000000e+00> : vector<288x288xf32>
    %dot_general3A_144 = tpu.matmul %mul3A_140, %slice3A_141, %dot_general3A_143 {dimension_numbers = #tpu.dot_dimension_numbers<[1], [1], [0], [0], [0, 0, 1, 0], [], []>, transpose_lhs_hint = false} : vector<288x128xf32>, vector<288x128xf32>, vector<288x288xf32> -> vector<288x288xf32>
    %reduce_max3A_145 = arith.constant dense<0xFF800000> : vector<288xf32>
    %reduce_max3A_146 = vector.multi_reduction <maximumf>, %dot_general3A_144, %reduce_max3A_145 [1] : vector<288x288xf32> to vector<288xf32>
    %broadcast_in_dim3A_147 = vector.shape_cast %reduce_max3A_146 : vector<288xf32> to vector<288x1xf32>
    %sub3A_148 = vector.broadcast %broadcast_in_dim3A_147 : vector<288x1xf32> to vector<288x288xf32>
    %sub3A_149 = arith.subf %dot_general3A_144, %sub3A_148 : vector<288x288xf32>
    %add3A_150 = vector.broadcast %get3A_14 : vector<1x288xf32> to vector<288x288xf32>
    %add3A_151 = arith.addf %sub3A_149, %add3A_150 : vector<288x288xf32>
    %exp23A_152 = math.exp2 %add3A_151 : vector<288x288xf32>
    %reduce_sum3A_153 = arith.constant dense<0.000000e+00> : vector<288xf32>
    %reduce_sum3A_154 = vector.multi_reduction <add>, %exp23A_152, %reduce_sum3A_153 [1] : vector<288x288xf32> to vector<288xf32>
    %broadcast_in_dim3A_155 = vector.shape_cast %reduce_sum3A_154 : vector<288xf32> to vector<288x1xf32>
    %div3A_156 = arith.constant 1.000000e+00 : f32
    %div3A_157 = vector.broadcast %div3A_156 : f32 to vector<288x1xf32>
    %div3A_158 = arith.divf %div3A_157, %broadcast_in_dim3A_155 : vector<288x1xf32>
    %dot_general3A_159 = arith.constant dense<0.000000e+00> : vector<288x128xf32>
    %dot_general3A_160 = tpu.matmul %exp23A_152, %slice3A_142, %dot_general3A_159 {dimension_numbers = #tpu.dot_dimension_numbers<[1], [0], [0], [1], [0, 0, 1, 1], [], []>, transpose_lhs_hint = false} : vector<288x288xf32>, vector<288x128xf32>, vector<288x128xf32> -> vector<288x128xf32>
    %mul3A_161 = vector.broadcast %div3A_158 : vector<288x1xf32> to vector<288x128xf32>
    %mul3A_162 = arith.mulf %dot_general3A_160, %mul3A_161 : vector<288x128xf32>
    %slice3A_163 = vector.extract_strided_slice %add3A_9 {offsets = [0, 768], sizes = [288, 128], strides = [1, 1]} : vector<1152x3072xf32> to vector<288x128xf32>
    %mul3A_164 = arith.constant 0.127517432 : f32
    %mul3A_165 = vector.broadcast %mul3A_164 : f32 to vector<288x128xf32>
    %mul3A_166 = arith.mulf %slice3A_163, %mul3A_165 : vector<288x128xf32>
    %slice3A_167 = vector.extract_strided_slice %add3A_9 {offsets = [0, 1792], sizes = [288, 128], strides = [1, 1]} : vector<1152x3072xf32> to vector<288x128xf32>
    %slice3A_168 = vector.extract_strided_slice %add3A_9 {offsets = [0, 2816], sizes = [288, 128], strides = [1, 1]} : vector<1152x3072xf32> to vector<288x128xf32>
    %dot_general3A_169 = arith.constant dense<0.000000e+00> : vector<288x288xf32>
    %dot_general3A_170 = tpu.matmul %mul3A_166, %slice3A_167, %dot_general3A_169 {dimension_numbers = #tpu.dot_dimension_numbers<[1], [1], [0], [0], [0, 0, 1, 0], [], []>, transpose_lhs_hint = false} : vector<288x128xf32>, vector<288x128xf32>, vector<288x288xf32> -> vector<288x288xf32>
    %reduce_max3A_171 = arith.constant dense<0xFF800000> : vector<288xf32>
    %reduce_max3A_172 = vector.multi_reduction <maximumf>, %dot_general3A_170, %reduce_max3A_171 [1] : vector<288x288xf32> to vector<288xf32>
    %broadcast_in_dim3A_173 = vector.shape_cast %reduce_max3A_172 : vector<288xf32> to vector<288x1xf32>
    %sub3A_174 = vector.broadcast %broadcast_in_dim3A_173 : vector<288x1xf32> to vector<288x288xf32>
    %sub3A_175 = arith.subf %dot_general3A_170, %sub3A_174 : vector<288x288xf32>
    %add3A_176 = vector.broadcast %get3A_14 : vector<1x288xf32> to vector<288x288xf32>
    %add3A_177 = arith.addf %sub3A_175, %add3A_176 : vector<288x288xf32>
    %exp23A_178 = math.exp2 %add3A_177 : vector<288x288xf32>
    %reduce_sum3A_179 = arith.constant dense<0.000000e+00> : vector<288xf32>
    %reduce_sum3A_180 = vector.multi_reduction <add>, %exp23A_178, %reduce_sum3A_179 [1] : vector<288x288xf32> to vector<288xf32>
    %broadcast_in_dim3A_181 = vector.shape_cast %reduce_sum3A_180 : vector<288xf32> to vector<288x1xf32>
    %div3A_182 = arith.constant 1.000000e+00 : f32
    %div3A_183 = vector.broadcast %div3A_182 : f32 to vector<288x1xf32>
    %div3A_184 = arith.divf %div3A_183, %broadcast_in_dim3A_181 : vector<288x1xf32>
    %dot_general3A_185 = arith.constant dense<0.000000e+00> : vector<288x128xf32>
    %dot_general3A_186 = tpu.matmul %exp23A_178, %slice3A_168, %dot_general3A_185 {dimension_numbers = #tpu.dot_dimension_numbers<[1], [0], [0], [1], [0, 0, 1, 1], [], []>, transpose_lhs_hint = false} : vector<288x288xf32>, vector<288x128xf32>, vector<288x128xf32> -> vector<288x128xf32>
    %mul3A_187 = vector.broadcast %div3A_184 : vector<288x1xf32> to vector<288x128xf32>
    %mul3A_188 = arith.mulf %dot_general3A_186, %mul3A_187 : vector<288x128xf32>
    %slice3A_189 = vector.extract_strided_slice %add3A_9 {offsets = [0, 896], sizes = [288, 128], strides = [1, 1]} : vector<1152x3072xf32> to vector<288x128xf32>
    %mul3A_190 = arith.constant 0.127517432 : f32
    %mul3A_191 = vector.broadcast %mul3A_190 : f32 to vector<288x128xf32>
    %mul3A_192 = arith.mulf %slice3A_189, %mul3A_191 : vector<288x128xf32>
    %slice3A_193 = vector.extract_strided_slice %add3A_9 {offsets = [0, 1920], sizes = [288, 128], strides = [1, 1]} : vector<1152x3072xf32> to vector<288x128xf32>
    %slice3A_194 = vector.extract_strided_slice %add3A_9 {offsets = [0, 2944], sizes = [288, 128], strides = [1, 1]} : vector<1152x3072xf32> to vector<288x128xf32>
    %dot_general3A_195 = arith.constant dense<0.000000e+00> : vector<288x288xf32>
    %dot_general3A_196 = tpu.matmul %mul3A_192, %slice3A_193, %dot_general3A_195 {dimension_numbers = #tpu.dot_dimension_numbers<[1], [1], [0], [0], [0, 0, 1, 0], [], []>, transpose_lhs_hint = false} : vector<288x128xf32>, vector<288x128xf32>, vector<288x288xf32> -> vector<288x288xf32>
    %reduce_max3A_197 = arith.constant dense<0xFF800000> : vector<288xf32>
    %reduce_max3A_198 = vector.multi_reduction <maximumf>, %dot_general3A_196, %reduce_max3A_197 [1] : vector<288x288xf32> to vector<288xf32>
    %broadcast_in_dim3A_199 = vector.shape_cast %reduce_max3A_198 : vector<288xf32> to vector<288x1xf32>
    %sub3A_200 = vector.broadcast %broadcast_in_dim3A_199 : vector<288x1xf32> to vector<288x288xf32>
    %sub3A_201 = arith.subf %dot_general3A_196, %sub3A_200 : vector<288x288xf32>
    %add3A_202 = vector.broadcast %get3A_14 : vector<1x288xf32> to vector<288x288xf32>
    %add3A_203 = arith.addf %sub3A_201, %add3A_202 : vector<288x288xf32>
    %exp23A_204 = math.exp2 %add3A_203 : vector<288x288xf32>
    %reduce_sum3A_205 = arith.constant dense<0.000000e+00> : vector<288xf32>
    %reduce_sum3A_206 = vector.multi_reduction <add>, %exp23A_204, %reduce_sum3A_205 [1] : vector<288x288xf32> to vector<288xf32>
    %broadcast_in_dim3A_207 = vector.shape_cast %reduce_sum3A_206 : vector<288xf32> to vector<288x1xf32>
    %div3A_208 = arith.constant 1.000000e+00 : f32
    %div3A_209 = vector.broadcast %div3A_208 : f32 to vector<288x1xf32>
    %div3A_210 = arith.divf %div3A_209, %broadcast_in_dim3A_207 : vector<288x1xf32>
    %dot_general3A_211 = arith.constant dense<0.000000e+00> : vector<288x128xf32>
    %dot_general3A_212 = tpu.matmul %exp23A_204, %slice3A_194, %dot_general3A_211 {dimension_numbers = #tpu.dot_dimension_numbers<[1], [0], [0], [1], [0, 0, 1, 1], [], []>, transpose_lhs_hint = false} : vector<288x288xf32>, vector<288x128xf32>, vector<288x128xf32> -> vector<288x128xf32>
    %mul3A_213 = vector.broadcast %div3A_210 : vector<288x1xf32> to vector<288x128xf32>
    %mul3A_214 = arith.mulf %dot_general3A_212, %mul3A_213 : vector<288x128xf32>
    %concatenate3A = tpu.concatenate %mul3A_32, %mul3A_58, %mul3A_84, %mul3A_110, %mul3A_136, %mul3A_162, %mul3A_188, %mul3A_214 in 1 : vector<288x128xf32>, vector<288x128xf32>, vector<288x128xf32>, vector<288x128xf32>, vector<288x128xf32>, vector<288x128xf32>, vector<288x128xf32>, vector<288x128xf32> -> vector<288x1024xf32>
    %get3A_215 = arith.constant 1 : index
    %get3A_216 = arith.constant 0 : index
    %get3A_217 = arith.constant 0 : index
    %get3A_218 = vector.load %arg6[%get3A_215, %get3A_216, %get3A_217] : memref<4x8x288xf32, #tpu.memory_space<vmem>>, vector<1x1x288xf32>
    %get3A_219 = vector.shape_cast %get3A_218 : vector<1x1x288xf32> to vector<1x288xf32>
    %slice3A_220 = vector.extract_strided_slice %add3A_9 {offsets = [288, 0], sizes = [288, 128], strides = [1, 1]} : vector<1152x3072xf32> to vector<288x128xf32>
    %mul3A_221 = arith.constant 0.127517432 : f32
    %mul3A_222 = vector.broadcast %mul3A_221 : f32 to vector<288x128xf32>
    %mul3A_223 = arith.mulf %slice3A_220, %mul3A_222 : vector<288x128xf32>
    %slice3A_224 = vector.extract_strided_slice %add3A_9 {offsets = [288, 1024], sizes = [288, 128], strides = [1, 1]} : vector<1152x3072xf32> to vector<288x128xf32>
    %slice3A_225 = vector.extract_strided_slice %add3A_9 {offsets = [288, 2048], sizes = [288, 128], strides = [1, 1]} : vector<1152x3072xf32> to vector<288x128xf32>
    %dot_general3A_226 = arith.constant dense<0.000000e+00> : vector<288x288xf32>
    %dot_general3A_227 = tpu.matmul %mul3A_223, %slice3A_224, %dot_general3A_226 {dimension_numbers = #tpu.dot_dimension_numbers<[1], [1], [0], [0], [0, 0, 1, 0], [], []>, transpose_lhs_hint = false} : vector<288x128xf32>, vector<288x128xf32>, vector<288x288xf32> -> vector<288x288xf32>
    %reduce_max3A_228 = arith.constant dense<0xFF800000> : vector<288xf32>
    %reduce_max3A_229 = vector.multi_reduction <maximumf>, %dot_general3A_227, %reduce_max3A_228 [1] : vector<288x288xf32> to vector<288xf32>
    %broadcast_in_dim3A_230 = vector.shape_cast %reduce_max3A_229 : vector<288xf32> to vector<288x1xf32>
    %sub3A_231 = vector.broadcast %broadcast_in_dim3A_230 : vector<288x1xf32> to vector<288x288xf32>
    %sub3A_232 = arith.subf %dot_general3A_227, %sub3A_231 : vector<288x288xf32>
    %add3A_233 = vector.broadcast %get3A_219 : vector<1x288xf32> to vector<288x288xf32>
    %add3A_234 = arith.addf %sub3A_232, %add3A_233 : vector<288x288xf32>
    %exp23A_235 = math.exp2 %add3A_234 : vector<288x288xf32>
    %reduce_sum3A_236 = arith.constant dense<0.000000e+00> : vector<288xf32>
    %reduce_sum3A_237 = vector.multi_reduction <add>, %exp23A_235, %reduce_sum3A_236 [1] : vector<288x288xf32> to vector<288xf32>
    %broadcast_in_dim3A_238 = vector.shape_cast %reduce_sum3A_237 : vector<288xf32> to vector<288x1xf32>
    %div3A_239 = arith.constant 1.000000e+00 : f32
    %div3A_240 = vector.broadcast %div3A_239 : f32 to vector<288x1xf32>
    %div3A_241 = arith.divf %div3A_240, %broadcast_in_dim3A_238 : vector<288x1xf32>
    %dot_general3A_242 = arith.constant dense<0.000000e+00> : vector<288x128xf32>
    %dot_general3A_243 = tpu.matmul %exp23A_235, %slice3A_225, %dot_general3A_242 {dimension_numbers = #tpu.dot_dimension_numbers<[1], [0], [0], [1], [0, 0, 1, 1], [], []>, transpose_lhs_hint = false} : vector<288x288xf32>, vector<288x128xf32>, vector<288x128xf32> -> vector<288x128xf32>
    %mul3A_244 = vector.broadcast %div3A_241 : vector<288x1xf32> to vector<288x128xf32>
    %mul3A_245 = arith.mulf %dot_general3A_243, %mul3A_244 : vector<288x128xf32>
    %slice3A_246 = vector.extract_strided_slice %add3A_9 {offsets = [288, 128], sizes = [288, 128], strides = [1, 1]} : vector<1152x3072xf32> to vector<288x128xf32>
    %mul3A_247 = arith.constant 0.127517432 : f32
    %mul3A_248 = vector.broadcast %mul3A_247 : f32 to vector<288x128xf32>
    %mul3A_249 = arith.mulf %slice3A_246, %mul3A_248 : vector<288x128xf32>
    %slice3A_250 = vector.extract_strided_slice %add3A_9 {offsets = [288, 1152], sizes = [288, 128], strides = [1, 1]} : vector<1152x3072xf32> to vector<288x128xf32>
    %slice3A_251 = vector.extract_strided_slice %add3A_9 {offsets = [288, 2176], sizes = [288, 128], strides = [1, 1]} : vector<1152x3072xf32> to vector<288x128xf32>
    %dot_general3A_252 = arith.constant dense<0.000000e+00> : vector<288x288xf32>
    %dot_general3A_253 = tpu.matmul %mul3A_249, %slice3A_250, %dot_general3A_252 {dimension_numbers = #tpu.dot_dimension_numbers<[1], [1], [0], [0], [0, 0, 1, 0], [], []>, transpose_lhs_hint = false} : vector<288x128xf32>, vector<288x128xf32>, vector<288x288xf32> -> vector<288x288xf32>
    %reduce_max3A_254 = arith.constant dense<0xFF800000> : vector<288xf32>
    %reduce_max3A_255 = vector.multi_reduction <maximumf>, %dot_general3A_253, %reduce_max3A_254 [1] : vector<288x288xf32> to vector<288xf32>
    %broadcast_in_dim3A_256 = vector.shape_cast %reduce_max3A_255 : vector<288xf32> to vector<288x1xf32>
    %sub3A_257 = vector.broadcast %broadcast_in_dim3A_256 : vector<288x1xf32> to vector<288x288xf32>
    %sub3A_258 = arith.subf %dot_general3A_253, %sub3A_257 : vector<288x288xf32>
    %add3A_259 = vector.broadcast %get3A_219 : vector<1x288xf32> to vector<288x288xf32>
    %add3A_260 = arith.addf %sub3A_258, %add3A_259 : vector<288x288xf32>
    %exp23A_261 = math.exp2 %add3A_260 : vector<288x288xf32>
    %reduce_sum3A_262 = arith.constant dense<0.000000e+00> : vector<288xf32>
    %reduce_sum3A_263 = vector.multi_reduction <add>, %exp23A_261, %reduce_sum3A_262 [1] : vector<288x288xf32> to vector<288xf32>
    %broadcast_in_dim3A_264 = vector.shape_cast %reduce_sum3A_263 : vector<288xf32> to vector<288x1xf32>
    %div3A_265 = arith.constant 1.000000e+00 : f32
    %div3A_266 = vector.broadcast %div3A_265 : f32 to vector<288x1xf32>
    %div3A_267 = arith.divf %div3A_266, %broadcast_in_dim3A_264 : vector<288x1xf32>
    %dot_general3A_268 = arith.constant dense<0.000000e+00> : vector<288x128xf32>
    %dot_general3A_269 = tpu.matmul %exp23A_261, %slice3A_251, %dot_general3A_268 {dimension_numbers = #tpu.dot_dimension_numbers<[1], [0], [0], [1], [0, 0, 1, 1], [], []>, transpose_lhs_hint = false} : vector<288x288xf32>, vector<288x128xf32>, vector<288x128xf32> -> vector<288x128xf32>
    %mul3A_270 = vector.broadcast %div3A_267 : vector<288x1xf32> to vector<288x128xf32>
    %mul3A_271 = arith.mulf %dot_general3A_269, %mul3A_270 : vector<288x128xf32>
    %slice3A_272 = vector.extract_strided_slice %add3A_9 {offsets = [288, 256], sizes = [288, 128], strides = [1, 1]} : vector<1152x3072xf32> to vector<288x128xf32>
    %mul3A_273 = arith.constant 0.127517432 : f32
    %mul3A_274 = vector.broadcast %mul3A_273 : f32 to vector<288x128xf32>
    %mul3A_275 = arith.mulf %slice3A_272, %mul3A_274 : vector<288x128xf32>
    %slice3A_276 = vector.extract_strided_slice %add3A_9 {offsets = [288, 1280], sizes = [288, 128], strides = [1, 1]} : vector<1152x3072xf32> to vector<288x128xf32>
    %slice3A_277 = vector.extract_strided_slice %add3A_9 {offsets = [288, 2304], sizes = [288, 128], strides = [1, 1]} : vector<1152x3072xf32> to vector<288x128xf32>
    %dot_general3A_278 = arith.constant dense<0.000000e+00> : vector<288x288xf32>
    %dot_general3A_279 = tpu.matmul %mul3A_275, %slice3A_276, %dot_general3A_278 {dimension_numbers = #tpu.dot_dimension_numbers<[1], [1], [0], [0], [0, 0, 1, 0], [], []>, transpose_lhs_hint = false} : vector<288x128xf32>, vector<288x128xf32>, vector<288x288xf32> -> vector<288x288xf32>
    %reduce_max3A_280 = arith.constant dense<0xFF800000> : vector<288xf32>
    %reduce_max3A_281 = vector.multi_reduction <maximumf>, %dot_general3A_279, %reduce_max3A_280 [1] : vector<288x288xf32> to vector<288xf32>
    %broadcast_in_dim3A_282 = vector.shape_cast %reduce_max3A_281 : vector<288xf32> to vector<288x1xf32>
    %sub3A_283 = vector.broadcast %broadcast_in_dim3A_282 : vector<288x1xf32> to vector<288x288xf32>
    %sub3A_284 = arith.subf %dot_general3A_279, %sub3A_283 : vector<288x288xf32>
    %add3A_285 = vector.broadcast %get3A_219 : vector<1x288xf32> to vector<288x288xf32>
    %add3A_286 = arith.addf %sub3A_284, %add3A_285 : vector<288x288xf32>
    %exp23A_287 = math.exp2 %add3A_286 : vector<288x288xf32>
    %reduce_sum3A_288 = arith.constant dense<0.000000e+00> : vector<288xf32>
    %reduce_sum3A_289 = vector.multi_reduction <add>, %exp23A_287, %reduce_sum3A_288 [1] : vector<288x288xf32> to vector<288xf32>
    %broadcast_in_dim3A_290 = vector.shape_cast %reduce_sum3A_289 : vector<288xf32> to vector<288x1xf32>
    %div3A_291 = arith.constant 1.000000e+00 : f32
    %div3A_292 = vector.broadcast %div3A_291 : f32 to vector<288x1xf32>
    %div3A_293 = arith.divf %div3A_292, %broadcast_in_dim3A_290 : vector<288x1xf32>
    %dot_general3A_294 = arith.constant dense<0.000000e+00> : vector<288x128xf32>
    %dot_general3A_295 = tpu.matmul %exp23A_287, %slice3A_277, %dot_general3A_294 {dimension_numbers = #tpu.dot_dimension_numbers<[1], [0], [0], [1], [0, 0, 1, 1], [], []>, transpose_lhs_hint = false} : vector<288x288xf32>, vector<288x128xf32>, vector<288x128xf32> -> vector<288x128xf32>
    %mul3A_296 = vector.broadcast %div3A_293 : vector<288x1xf32> to vector<288x128xf32>
    %mul3A_297 = arith.mulf %dot_general3A_295, %mul3A_296 : vector<288x128xf32>
    %slice3A_298 = vector.extract_strided_slice %add3A_9 {offsets = [288, 384], sizes = [288, 128], strides = [1, 1]} : vector<1152x3072xf32> to vector<288x128xf32>
    %mul3A_299 = arith.constant 0.127517432 : f32
    %mul3A_300 = vector.broadcast %mul3A_299 : f32 to vector<288x128xf32>
    %mul3A_301 = arith.mulf %slice3A_298, %mul3A_300 : vector<288x128xf32>
    %slice3A_302 = vector.extract_strided_slice %add3A_9 {offsets = [288, 1408], sizes = [288, 128], strides = [1, 1]} : vector<1152x3072xf32> to vector<288x128xf32>
    %slice3A_303 = vector.extract_strided_slice %add3A_9 {offsets = [288, 2432], sizes = [288, 128], strides = [1, 1]} : vector<1152x3072xf32> to vector<288x128xf32>
    %dot_general3A_304 = arith.constant dense<0.000000e+00> : vector<288x288xf32>
    %dot_general3A_305 = tpu.matmul %mul3A_301, %slice3A_302, %dot_general3A_304 {dimension_numbers = #tpu.dot_dimension_numbers<[1], [1], [0], [0], [0, 0, 1, 0], [], []>, transpose_lhs_hint = false} : vector<288x128xf32>, vector<288x128xf32>, vector<288x288xf32> -> vector<288x288xf32>
    %reduce_max3A_306 = arith.constant dense<0xFF800000> : vector<288xf32>
    %reduce_max3A_307 = vector.multi_reduction <maximumf>, %dot_general3A_305, %reduce_max3A_306 [1] : vector<288x288xf32> to vector<288xf32>
    %broadcast_in_dim3A_308 = vector.shape_cast %reduce_max3A_307 : vector<288xf32> to vector<288x1xf32>
    %sub3A_309 = vector.broadcast %broadcast_in_dim3A_308 : vector<288x1xf32> to vector<288x288xf32>
    %sub3A_310 = arith.subf %dot_general3A_305, %sub3A_309 : vector<288x288xf32>
    %add3A_311 = vector.broadcast %get3A_219 : vector<1x288xf32> to vector<288x288xf32>
    %add3A_312 = arith.addf %sub3A_310, %add3A_311 : vector<288x288xf32>
    %exp23A_313 = math.exp2 %add3A_312 : vector<288x288xf32>
    %reduce_sum3A_314 = arith.constant dense<0.000000e+00> : vector<288xf32>
    %reduce_sum3A_315 = vector.multi_reduction <add>, %exp23A_313, %reduce_sum3A_314 [1] : vector<288x288xf32> to vector<288xf32>
    %broadcast_in_dim3A_316 = vector.shape_cast %reduce_sum3A_315 : vector<288xf32> to vector<288x1xf32>
    %div3A_317 = arith.constant 1.000000e+00 : f32
    %div3A_318 = vector.broadcast %div3A_317 : f32 to vector<288x1xf32>
    %div3A_319 = arith.divf %div3A_318, %broadcast_in_dim3A_316 : vector<288x1xf32>
    %dot_general3A_320 = arith.constant dense<0.000000e+00> : vector<288x128xf32>
    %dot_general3A_321 = tpu.matmul %exp23A_313, %slice3A_303, %dot_general3A_320 {dimension_numbers = #tpu.dot_dimension_numbers<[1], [0], [0], [1], [0, 0, 1, 1], [], []>, transpose_lhs_hint = false} : vector<288x288xf32>, vector<288x128xf32>, vector<288x128xf32> -> vector<288x128xf32>
    %mul3A_322 = vector.broadcast %div3A_319 : vector<288x1xf32> to vector<288x128xf32>
    %mul3A_323 = arith.mulf %dot_general3A_321, %mul3A_322 : vector<288x128xf32>
    %slice3A_324 = vector.extract_strided_slice %add3A_9 {offsets = [288, 512], sizes = [288, 128], strides = [1, 1]} : vector<1152x3072xf32> to vector<288x128xf32>
    %mul3A_325 = arith.constant 0.127517432 : f32
    %mul3A_326 = vector.broadcast %mul3A_325 : f32 to vector<288x128xf32>
    %mul3A_327 = arith.mulf %slice3A_324, %mul3A_326 : vector<288x128xf32>
    %slice3A_328 = vector.extract_strided_slice %add3A_9 {offsets = [288, 1536], sizes = [288, 128], strides = [1, 1]} : vector<1152x3072xf32> to vector<288x128xf32>
    %slice3A_329 = vector.extract_strided_slice %add3A_9 {offsets = [288, 2560], sizes = [288, 128], strides = [1, 1]} : vector<1152x3072xf32> to vector<288x128xf32>
    %dot_general3A_330 = arith.constant dense<0.000000e+00> : vector<288x288xf32>
    %dot_general3A_331 = tpu.matmul %mul3A_327, %slice3A_328, %dot_general3A_330 {dimension_numbers = #tpu.dot_dimension_numbers<[1], [1], [0], [0], [0, 0, 1, 0], [], []>, transpose_lhs_hint = false} : vector<288x128xf32>, vector<288x128xf32>, vector<288x288xf32> -> vector<288x288xf32>
    %reduce_max3A_332 = arith.constant dense<0xFF800000> : vector<288xf32>
    %reduce_max3A_333 = vector.multi_reduction <maximumf>, %dot_general3A_331, %reduce_max3A_332 [1] : vector<288x288xf32> to vector<288xf32>
    %broadcast_in_dim3A_334 = vector.shape_cast %reduce_max3A_333 : vector<288xf32> to vector<288x1xf32>
    %sub3A_335 = vector.broadcast %broadcast_in_dim3A_334 : vector<288x1xf32> to vector<288x288xf32>
    %sub3A_336 = arith.subf %dot_general3A_331, %sub3A_335 : vector<288x288xf32>
    %add3A_337 = vector.broadcast %get3A_219 : vector<1x288xf32> to vector<288x288xf32>
    %add3A_338 = arith.addf %sub3A_336, %add3A_337 : vector<288x288xf32>
    %exp23A_339 = math.exp2 %add3A_338 : vector<288x288xf32>
    %reduce_sum3A_340 = arith.constant dense<0.000000e+00> : vector<288xf32>
    %reduce_sum3A_341 = vector.multi_reduction <add>, %exp23A_339, %reduce_sum3A_340 [1] : vector<288x288xf32> to vector<288xf32>
    %broadcast_in_dim3A_342 = vector.shape_cast %reduce_sum3A_341 : vector<288xf32> to vector<288x1xf32>
    %div3A_343 = arith.constant 1.000000e+00 : f32
    %div3A_344 = vector.broadcast %div3A_343 : f32 to vector<288x1xf32>
    %div3A_345 = arith.divf %div3A_344, %broadcast_in_dim3A_342 : vector<288x1xf32>
    %dot_general3A_346 = arith.constant dense<0.000000e+00> : vector<288x128xf32>
    %dot_general3A_347 = tpu.matmul %exp23A_339, %slice3A_329, %dot_general3A_346 {dimension_numbers = #tpu.dot_dimension_numbers<[1], [0], [0], [1], [0, 0, 1, 1], [], []>, transpose_lhs_hint = false} : vector<288x288xf32>, vector<288x128xf32>, vector<288x128xf32> -> vector<288x128xf32>
    %mul3A_348 = vector.broadcast %div3A_345 : vector<288x1xf32> to vector<288x128xf32>
    %mul3A_349 = arith.mulf %dot_general3A_347, %mul3A_348 : vector<288x128xf32>
    %slice3A_350 = vector.extract_strided_slice %add3A_9 {offsets = [288, 640], sizes = [288, 128], strides = [1, 1]} : vector<1152x3072xf32> to vector<288x128xf32>
    %mul3A_351 = arith.constant 0.127517432 : f32
    %mul3A_352 = vector.broadcast %mul3A_351 : f32 to vector<288x128xf32>
    %mul3A_353 = arith.mulf %slice3A_350, %mul3A_352 : vector<288x128xf32>
    %slice3A_354 = vector.extract_strided_slice %add3A_9 {offsets = [288, 1664], sizes = [288, 128], strides = [1, 1]} : vector<1152x3072xf32> to vector<288x128xf32>
    %slice3A_355 = vector.extract_strided_slice %add3A_9 {offsets = [288, 2688], sizes = [288, 128], strides = [1, 1]} : vector<1152x3072xf32> to vector<288x128xf32>
    %dot_general3A_356 = arith.constant dense<0.000000e+00> : vector<288x288xf32>
    %dot_general3A_357 = tpu.matmul %mul3A_353, %slice3A_354, %dot_general3A_356 {dimension_numbers = #tpu.dot_dimension_numbers<[1], [1], [0], [0], [0, 0, 1, 0], [], []>, transpose_lhs_hint = false} : vector<288x128xf32>, vector<288x128xf32>, vector<288x288xf32> -> vector<288x288xf32>
    %reduce_max3A_358 = arith.constant dense<0xFF800000> : vector<288xf32>
    %reduce_max3A_359 = vector.multi_reduction <maximumf>, %dot_general3A_357, %reduce_max3A_358 [1] : vector<288x288xf32> to vector<288xf32>
    %broadcast_in_dim3A_360 = vector.shape_cast %reduce_max3A_359 : vector<288xf32> to vector<288x1xf32>
    %sub3A_361 = vector.broadcast %broadcast_in_dim3A_360 : vector<288x1xf32> to vector<288x288xf32>
    %sub3A_362 = arith.subf %dot_general3A_357, %sub3A_361 : vector<288x288xf32>
    %add3A_363 = vector.broadcast %get3A_219 : vector<1x288xf32> to vector<288x288xf32>
    %add3A_364 = arith.addf %sub3A_362, %add3A_363 : vector<288x288xf32>
    %exp23A_365 = math.exp2 %add3A_364 : vector<288x288xf32>
    %reduce_sum3A_366 = arith.constant dense<0.000000e+00> : vector<288xf32>
    %reduce_sum3A_367 = vector.multi_reduction <add>, %exp23A_365, %reduce_sum3A_366 [1] : vector<288x288xf32> to vector<288xf32>
    %broadcast_in_dim3A_368 = vector.shape_cast %reduce_sum3A_367 : vector<288xf32> to vector<288x1xf32>
    %div3A_369 = arith.constant 1.000000e+00 : f32
    %div3A_370 = vector.broadcast %div3A_369 : f32 to vector<288x1xf32>
    %div3A_371 = arith.divf %div3A_370, %broadcast_in_dim3A_368 : vector<288x1xf32>
    %dot_general3A_372 = arith.constant dense<0.000000e+00> : vector<288x128xf32>
    %dot_general3A_373 = tpu.matmul %exp23A_365, %slice3A_355, %dot_general3A_372 {dimension_numbers = #tpu.dot_dimension_numbers<[1], [0], [0], [1], [0, 0, 1, 1], [], []>, transpose_lhs_hint = false} : vector<288x288xf32>, vector<288x128xf32>, vector<288x128xf32> -> vector<288x128xf32>
    %mul3A_374 = vector.broadcast %div3A_371 : vector<288x1xf32> to vector<288x128xf32>
    %mul3A_375 = arith.mulf %dot_general3A_373, %mul3A_374 : vector<288x128xf32>
    %slice3A_376 = vector.extract_strided_slice %add3A_9 {offsets = [288, 768], sizes = [288, 128], strides = [1, 1]} : vector<1152x3072xf32> to vector<288x128xf32>
    %mul3A_377 = arith.constant 0.127517432 : f32
    %mul3A_378 = vector.broadcast %mul3A_377 : f32 to vector<288x128xf32>
    %mul3A_379 = arith.mulf %slice3A_376, %mul3A_378 : vector<288x128xf32>
    %slice3A_380 = vector.extract_strided_slice %add3A_9 {offsets = [288, 1792], sizes = [288, 128], strides = [1, 1]} : vector<1152x3072xf32> to vector<288x128xf32>
    %slice3A_381 = vector.extract_strided_slice %add3A_9 {offsets = [288, 2816], sizes = [288, 128], strides = [1, 1]} : vector<1152x3072xf32> to vector<288x128xf32>
    %dot_general3A_382 = arith.constant dense<0.000000e+00> : vector<288x288xf32>
    %dot_general3A_383 = tpu.matmul %mul3A_379, %slice3A_380, %dot_general3A_382 {dimension_numbers = #tpu.dot_dimension_numbers<[1], [1], [0], [0], [0, 0, 1, 0], [], []>, transpose_lhs_hint = false} : vector<288x128xf32>, vector<288x128xf32>, vector<288x288xf32> -> vector<288x288xf32>
    %reduce_max3A_384 = arith.constant dense<0xFF800000> : vector<288xf32>
    %reduce_max3A_385 = vector.multi_reduction <maximumf>, %dot_general3A_383, %reduce_max3A_384 [1] : vector<288x288xf32> to vector<288xf32>
    %broadcast_in_dim3A_386 = vector.shape_cast %reduce_max3A_385 : vector<288xf32> to vector<288x1xf32>
    %sub3A_387 = vector.broadcast %broadcast_in_dim3A_386 : vector<288x1xf32> to vector<288x288xf32>
    %sub3A_388 = arith.subf %dot_general3A_383, %sub3A_387 : vector<288x288xf32>
    %add3A_389 = vector.broadcast %get3A_219 : vector<1x288xf32> to vector<288x288xf32>
    %add3A_390 = arith.addf %sub3A_388, %add3A_389 : vector<288x288xf32>
    %exp23A_391 = math.exp2 %add3A_390 : vector<288x288xf32>
    %reduce_sum3A_392 = arith.constant dense<0.000000e+00> : vector<288xf32>
    %reduce_sum3A_393 = vector.multi_reduction <add>, %exp23A_391, %reduce_sum3A_392 [1] : vector<288x288xf32> to vector<288xf32>
    %broadcast_in_dim3A_394 = vector.shape_cast %reduce_sum3A_393 : vector<288xf32> to vector<288x1xf32>
    %div3A_395 = arith.constant 1.000000e+00 : f32
    %div3A_396 = vector.broadcast %div3A_395 : f32 to vector<288x1xf32>
    %div3A_397 = arith.divf %div3A_396, %broadcast_in_dim3A_394 : vector<288x1xf32>
    %dot_general3A_398 = arith.constant dense<0.000000e+00> : vector<288x128xf32>
    %dot_general3A_399 = tpu.matmul %exp23A_391, %slice3A_381, %dot_general3A_398 {dimension_numbers = #tpu.dot_dimension_numbers<[1], [0], [0], [1], [0, 0, 1, 1], [], []>, transpose_lhs_hint = false} : vector<288x288xf32>, vector<288x128xf32>, vector<288x128xf32> -> vector<288x128xf32>
    %mul3A_400 = vector.broadcast %div3A_397 : vector<288x1xf32> to vector<288x128xf32>
    %mul3A_401 = arith.mulf %dot_general3A_399, %mul3A_400 : vector<288x128xf32>
    %slice3A_402 = vector.extract_strided_slice %add3A_9 {offsets = [288, 896], sizes = [288, 128], strides = [1, 1]} : vector<1152x3072xf32> to vector<288x128xf32>
    %mul3A_403 = arith.constant 0.127517432 : f32
    %mul3A_404 = vector.broadcast %mul3A_403 : f32 to vector<288x128xf32>
    %mul3A_405 = arith.mulf %slice3A_402, %mul3A_404 : vector<288x128xf32>
    %slice3A_406 = vector.extract_strided_slice %add3A_9 {offsets = [288, 1920], sizes = [288, 128], strides = [1, 1]} : vector<1152x3072xf32> to vector<288x128xf32>
    %slice3A_407 = vector.extract_strided_slice %add3A_9 {offsets = [288, 2944], sizes = [288, 128], strides = [1, 1]} : vector<1152x3072xf32> to vector<288x128xf32>
    %dot_general3A_408 = arith.constant dense<0.000000e+00> : vector<288x288xf32>
    %dot_general3A_409 = tpu.matmul %mul3A_405, %slice3A_406, %dot_general3A_408 {dimension_numbers = #tpu.dot_dimension_numbers<[1], [1], [0], [0], [0, 0, 1, 0], [], []>, transpose_lhs_hint = false} : vector<288x128xf32>, vector<288x128xf32>, vector<288x288xf32> -> vector<288x288xf32>
    %reduce_max3A_410 = arith.constant dense<0xFF800000> : vector<288xf32>
    %reduce_max3A_411 = vector.multi_reduction <maximumf>, %dot_general3A_409, %reduce_max3A_410 [1] : vector<288x288xf32> to vector<288xf32>
    %broadcast_in_dim3A_412 = vector.shape_cast %reduce_max3A_411 : vector<288xf32> to vector<288x1xf32>
    %sub3A_413 = vector.broadcast %broadcast_in_dim3A_412 : vector<288x1xf32> to vector<288x288xf32>
    %sub3A_414 = arith.subf %dot_general3A_409, %sub3A_413 : vector<288x288xf32>
    %add3A_415 = vector.broadcast %get3A_219 : vector<1x288xf32> to vector<288x288xf32>
    %add3A_416 = arith.addf %sub3A_414, %add3A_415 : vector<288x288xf32>
    %exp23A_417 = math.exp2 %add3A_416 : vector<288x288xf32>
    %reduce_sum3A_418 = arith.constant dense<0.000000e+00> : vector<288xf32>
    %reduce_sum3A_419 = vector.multi_reduction <add>, %exp23A_417, %reduce_sum3A_418 [1] : vector<288x288xf32> to vector<288xf32>
    %broadcast_in_dim3A_420 = vector.shape_cast %reduce_sum3A_419 : vector<288xf32> to vector<288x1xf32>
    %div3A_421 = arith.constant 1.000000e+00 : f32
    %div3A_422 = vector.broadcast %div3A_421 : f32 to vector<288x1xf32>
    %div3A_423 = arith.divf %div3A_422, %broadcast_in_dim3A_420 : vector<288x1xf32>
    %dot_general3A_424 = arith.constant dense<0.000000e+00> : vector<288x128xf32>
    %dot_general3A_425 = tpu.matmul %exp23A_417, %slice3A_407, %dot_general3A_424 {dimension_numbers = #tpu.dot_dimension_numbers<[1], [0], [0], [1], [0, 0, 1, 1], [], []>, transpose_lhs_hint = false} : vector<288x288xf32>, vector<288x128xf32>, vector<288x128xf32> -> vector<288x128xf32>
    %mul3A_426 = vector.broadcast %div3A_423 : vector<288x1xf32> to vector<288x128xf32>
    %mul3A_427 = arith.mulf %dot_general3A_425, %mul3A_426 : vector<288x128xf32>
    %concatenate3A_428 = tpu.concatenate %mul3A_245, %mul3A_271, %mul3A_297, %mul3A_323, %mul3A_349, %mul3A_375, %mul3A_401, %mul3A_427 in 1 : vector<288x128xf32>, vector<288x128xf32>, vector<288x128xf32>, vector<288x128xf32>, vector<288x128xf32>, vector<288x128xf32>, vector<288x128xf32>, vector<288x128xf32> -> vector<288x1024xf32>
    %get3A_429 = arith.constant 2 : index
    %get3A_430 = arith.constant 0 : index
    %get3A_431 = arith.constant 0 : index
    %get3A_432 = vector.load %arg6[%get3A_429, %get3A_430, %get3A_431] : memref<4x8x288xf32, #tpu.memory_space<vmem>>, vector<1x1x288xf32>
    %get3A_433 = vector.shape_cast %get3A_432 : vector<1x1x288xf32> to vector<1x288xf32>
    %slice3A_434 = vector.extract_strided_slice %add3A_9 {offsets = [576, 0], sizes = [288, 128], strides = [1, 1]} : vector<1152x3072xf32> to vector<288x128xf32>
    %mul3A_435 = arith.constant 0.127517432 : f32
    %mul3A_436 = vector.broadcast %mul3A_435 : f32 to vector<288x128xf32>
    %mul3A_437 = arith.mulf %slice3A_434, %mul3A_436 : vector<288x128xf32>
    %slice3A_438 = vector.extract_strided_slice %add3A_9 {offsets = [576, 1024], sizes = [288, 128], strides = [1, 1]} : vector<1152x3072xf32> to vector<288x128xf32>
    %slice3A_439 = vector.extract_strided_slice %add3A_9 {offsets = [576, 2048], sizes = [288, 128], strides = [1, 1]} : vector<1152x3072xf32> to vector<288x128xf32>
    %dot_general3A_440 = arith.constant dense<0.000000e+00> : vector<288x288xf32>
    %dot_general3A_441 = tpu.matmul %mul3A_437, %slice3A_438, %dot_general3A_440 {dimension_numbers = #tpu.dot_dimension_numbers<[1], [1], [0], [0], [0, 0, 1, 0], [], []>, transpose_lhs_hint = false} : vector<288x128xf32>, vector<288x128xf32>, vector<288x288xf32> -> vector<288x288xf32>
    %reduce_max3A_442 = arith.constant dense<0xFF800000> : vector<288xf32>
    %reduce_max3A_443 = vector.multi_reduction <maximumf>, %dot_general3A_441, %reduce_max3A_442 [1] : vector<288x288xf32> to vector<288xf32>
    %broadcast_in_dim3A_444 = vector.shape_cast %reduce_max3A_443 : vector<288xf32> to vector<288x1xf32>
    %sub3A_445 = vector.broadcast %broadcast_in_dim3A_444 : vector<288x1xf32> to vector<288x288xf32>
    %sub3A_446 = arith.subf %dot_general3A_441, %sub3A_445 : vector<288x288xf32>
    %add3A_447 = vector.broadcast %get3A_433 : vector<1x288xf32> to vector<288x288xf32>
    %add3A_448 = arith.addf %sub3A_446, %add3A_447 : vector<288x288xf32>
    %exp23A_449 = math.exp2 %add3A_448 : vector<288x288xf32>
    %reduce_sum3A_450 = arith.constant dense<0.000000e+00> : vector<288xf32>
    %reduce_sum3A_451 = vector.multi_reduction <add>, %exp23A_449, %reduce_sum3A_450 [1] : vector<288x288xf32> to vector<288xf32>
    %broadcast_in_dim3A_452 = vector.shape_cast %reduce_sum3A_451 : vector<288xf32> to vector<288x1xf32>
    %div3A_453 = arith.constant 1.000000e+00 : f32
    %div3A_454 = vector.broadcast %div3A_453 : f32 to vector<288x1xf32>
    %div3A_455 = arith.divf %div3A_454, %broadcast_in_dim3A_452 : vector<288x1xf32>
    %dot_general3A_456 = arith.constant dense<0.000000e+00> : vector<288x128xf32>
    %dot_general3A_457 = tpu.matmul %exp23A_449, %slice3A_439, %dot_general3A_456 {dimension_numbers = #tpu.dot_dimension_numbers<[1], [0], [0], [1], [0, 0, 1, 1], [], []>, transpose_lhs_hint = false} : vector<288x288xf32>, vector<288x128xf32>, vector<288x128xf32> -> vector<288x128xf32>
    %mul3A_458 = vector.broadcast %div3A_455 : vector<288x1xf32> to vector<288x128xf32>
    %mul3A_459 = arith.mulf %dot_general3A_457, %mul3A_458 : vector<288x128xf32>
    %slice3A_460 = vector.extract_strided_slice %add3A_9 {offsets = [576, 128], sizes = [288, 128], strides = [1, 1]} : vector<1152x3072xf32> to vector<288x128xf32>
    %mul3A_461 = arith.constant 0.127517432 : f32
    %mul3A_462 = vector.broadcast %mul3A_461 : f32 to vector<288x128xf32>
    %mul3A_463 = arith.mulf %slice3A_460, %mul3A_462 : vector<288x128xf32>
    %slice3A_464 = vector.extract_strided_slice %add3A_9 {offsets = [576, 1152], sizes = [288, 128], strides = [1, 1]} : vector<1152x3072xf32> to vector<288x128xf32>
    %slice3A_465 = vector.extract_strided_slice %add3A_9 {offsets = [576, 2176], sizes = [288, 128], strides = [1, 1]} : vector<1152x3072xf32> to vector<288x128xf32>
    %dot_general3A_466 = arith.constant dense<0.000000e+00> : vector<288x288xf32>
    %dot_general3A_467 = tpu.matmul %mul3A_463, %slice3A_464, %dot_general3A_466 {dimension_numbers = #tpu.dot_dimension_numbers<[1], [1], [0], [0], [0, 0, 1, 0], [], []>, transpose_lhs_hint = false} : vector<288x128xf32>, vector<288x128xf32>, vector<288x288xf32> -> vector<288x288xf32>
    %reduce_max3A_468 = arith.constant dense<0xFF800000> : vector<288xf32>
    %reduce_max3A_469 = vector.multi_reduction <maximumf>, %dot_general3A_467, %reduce_max3A_468 [1] : vector<288x288xf32> to vector<288xf32>
    %broadcast_in_dim3A_470 = vector.shape_cast %reduce_max3A_469 : vector<288xf32> to vector<288x1xf32>
    %sub3A_471 = vector.broadcast %broadcast_in_dim3A_470 : vector<288x1xf32> to vector<288x288xf32>
    %sub3A_472 = arith.subf %dot_general3A_467, %sub3A_471 : vector<288x288xf32>
    %add3A_473 = vector.broadcast %get3A_433 : vector<1x288xf32> to vector<288x288xf32>
    %add3A_474 = arith.addf %sub3A_472, %add3A_473 : vector<288x288xf32>
    %exp23A_475 = math.exp2 %add3A_474 : vector<288x288xf32>
    %reduce_sum3A_476 = arith.constant dense<0.000000e+00> : vector<288xf32>
    %reduce_sum3A_477 = vector.multi_reduction <add>, %exp23A_475, %reduce_sum3A_476 [1] : vector<288x288xf32> to vector<288xf32>
    %broadcast_in_dim3A_478 = vector.shape_cast %reduce_sum3A_477 : vector<288xf32> to vector<288x1xf32>
    %div3A_479 = arith.constant 1.000000e+00 : f32
    %div3A_480 = vector.broadcast %div3A_479 : f32 to vector<288x1xf32>
    %div3A_481 = arith.divf %div3A_480, %broadcast_in_dim3A_478 : vector<288x1xf32>
    %dot_general3A_482 = arith.constant dense<0.000000e+00> : vector<288x128xf32>
    %dot_general3A_483 = tpu.matmul %exp23A_475, %slice3A_465, %dot_general3A_482 {dimension_numbers = #tpu.dot_dimension_numbers<[1], [0], [0], [1], [0, 0, 1, 1], [], []>, transpose_lhs_hint = false} : vector<288x288xf32>, vector<288x128xf32>, vector<288x128xf32> -> vector<288x128xf32>
    %mul3A_484 = vector.broadcast %div3A_481 : vector<288x1xf32> to vector<288x128xf32>
    %mul3A_485 = arith.mulf %dot_general3A_483, %mul3A_484 : vector<288x128xf32>
    %slice3A_486 = vector.extract_strided_slice %add3A_9 {offsets = [576, 256], sizes = [288, 128], strides = [1, 1]} : vector<1152x3072xf32> to vector<288x128xf32>
    %mul3A_487 = arith.constant 0.127517432 : f32
    %mul3A_488 = vector.broadcast %mul3A_487 : f32 to vector<288x128xf32>
    %mul3A_489 = arith.mulf %slice3A_486, %mul3A_488 : vector<288x128xf32>
    %slice3A_490 = vector.extract_strided_slice %add3A_9 {offsets = [576, 1280], sizes = [288, 128], strides = [1, 1]} : vector<1152x3072xf32> to vector<288x128xf32>
    %slice3A_491 = vector.extract_strided_slice %add3A_9 {offsets = [576, 2304], sizes = [288, 128], strides = [1, 1]} : vector<1152x3072xf32> to vector<288x128xf32>
    %dot_general3A_492 = arith.constant dense<0.000000e+00> : vector<288x288xf32>
    %dot_general3A_493 = tpu.matmul %mul3A_489, %slice3A_490, %dot_general3A_492 {dimension_numbers = #tpu.dot_dimension_numbers<[1], [1], [0], [0], [0, 0, 1, 0], [], []>, transpose_lhs_hint = false} : vector<288x128xf32>, vector<288x128xf32>, vector<288x288xf32> -> vector<288x288xf32>
    %reduce_max3A_494 = arith.constant dense<0xFF800000> : vector<288xf32>
    %reduce_max3A_495 = vector.multi_reduction <maximumf>, %dot_general3A_493, %reduce_max3A_494 [1] : vector<288x288xf32> to vector<288xf32>
    %broadcast_in_dim3A_496 = vector.shape_cast %reduce_max3A_495 : vector<288xf32> to vector<288x1xf32>
    %sub3A_497 = vector.broadcast %broadcast_in_dim3A_496 : vector<288x1xf32> to vector<288x288xf32>
    %sub3A_498 = arith.subf %dot_general3A_493, %sub3A_497 : vector<288x288xf32>
    %add3A_499 = vector.broadcast %get3A_433 : vector<1x288xf32> to vector<288x288xf32>
    %add3A_500 = arith.addf %sub3A_498, %add3A_499 : vector<288x288xf32>
    %exp23A_501 = math.exp2 %add3A_500 : vector<288x288xf32>
    %reduce_sum3A_502 = arith.constant dense<0.000000e+00> : vector<288xf32>
    %reduce_sum3A_503 = vector.multi_reduction <add>, %exp23A_501, %reduce_sum3A_502 [1] : vector<288x288xf32> to vector<288xf32>
    %broadcast_in_dim3A_504 = vector.shape_cast %reduce_sum3A_503 : vector<288xf32> to vector<288x1xf32>
    %div3A_505 = arith.constant 1.000000e+00 : f32
    %div3A_506 = vector.broadcast %div3A_505 : f32 to vector<288x1xf32>
    %div3A_507 = arith.divf %div3A_506, %broadcast_in_dim3A_504 : vector<288x1xf32>
    %dot_general3A_508 = arith.constant dense<0.000000e+00> : vector<288x128xf32>
    %dot_general3A_509 = tpu.matmul %exp23A_501, %slice3A_491, %dot_general3A_508 {dimension_numbers = #tpu.dot_dimension_numbers<[1], [0], [0], [1], [0, 0, 1, 1], [], []>, transpose_lhs_hint = false} : vector<288x288xf32>, vector<288x128xf32>, vector<288x128xf32> -> vector<288x128xf32>
    %mul3A_510 = vector.broadcast %div3A_507 : vector<288x1xf32> to vector<288x128xf32>
    %mul3A_511 = arith.mulf %dot_general3A_509, %mul3A_510 : vector<288x128xf32>
    %slice3A_512 = vector.extract_strided_slice %add3A_9 {offsets = [576, 384], sizes = [288, 128], strides = [1, 1]} : vector<1152x3072xf32> to vector<288x128xf32>
    %mul3A_513 = arith.constant 0.127517432 : f32
    %mul3A_514 = vector.broadcast %mul3A_513 : f32 to vector<288x128xf32>
    %mul3A_515 = arith.mulf %slice3A_512, %mul3A_514 : vector<288x128xf32>
    %slice3A_516 = vector.extract_strided_slice %add3A_9 {offsets = [576, 1408], sizes = [288, 128], strides = [1, 1]} : vector<1152x3072xf32> to vector<288x128xf32>
    %slice3A_517 = vector.extract_strided_slice %add3A_9 {offsets = [576, 2432], sizes = [288, 128], strides = [1, 1]} : vector<1152x3072xf32> to vector<288x128xf32>
    %dot_general3A_518 = arith.constant dense<0.000000e+00> : vector<288x288xf32>
    %dot_general3A_519 = tpu.matmul %mul3A_515, %slice3A_516, %dot_general3A_518 {dimension_numbers = #tpu.dot_dimension_numbers<[1], [1], [0], [0], [0, 0, 1, 0], [], []>, transpose_lhs_hint = false} : vector<288x128xf32>, vector<288x128xf32>, vector<288x288xf32> -> vector<288x288xf32>
    %reduce_max3A_520 = arith.constant dense<0xFF800000> : vector<288xf32>
    %reduce_max3A_521 = vector.multi_reduction <maximumf>, %dot_general3A_519, %reduce_max3A_520 [1] : vector<288x288xf32> to vector<288xf32>
    %broadcast_in_dim3A_522 = vector.shape_cast %reduce_max3A_521 : vector<288xf32> to vector<288x1xf32>
    %sub3A_523 = vector.broadcast %broadcast_in_dim3A_522 : vector<288x1xf32> to vector<288x288xf32>
    %sub3A_524 = arith.subf %dot_general3A_519, %sub3A_523 : vector<288x288xf32>
    %add3A_525 = vector.broadcast %get3A_433 : vector<1x288xf32> to vector<288x288xf32>
    %add3A_526 = arith.addf %sub3A_524, %add3A_525 : vector<288x288xf32>
    %exp23A_527 = math.exp2 %add3A_526 : vector<288x288xf32>
    %reduce_sum3A_528 = arith.constant dense<0.000000e+00> : vector<288xf32>
    %reduce_sum3A_529 = vector.multi_reduction <add>, %exp23A_527, %reduce_sum3A_528 [1] : vector<288x288xf32> to vector<288xf32>
    %broadcast_in_dim3A_530 = vector.shape_cast %reduce_sum3A_529 : vector<288xf32> to vector<288x1xf32>
    %div3A_531 = arith.constant 1.000000e+00 : f32
    %div3A_532 = vector.broadcast %div3A_531 : f32 to vector<288x1xf32>
    %div3A_533 = arith.divf %div3A_532, %broadcast_in_dim3A_530 : vector<288x1xf32>
    %dot_general3A_534 = arith.constant dense<0.000000e+00> : vector<288x128xf32>
    %dot_general3A_535 = tpu.matmul %exp23A_527, %slice3A_517, %dot_general3A_534 {dimension_numbers = #tpu.dot_dimension_numbers<[1], [0], [0], [1], [0, 0, 1, 1], [], []>, transpose_lhs_hint = false} : vector<288x288xf32>, vector<288x128xf32>, vector<288x128xf32> -> vector<288x128xf32>
    %mul3A_536 = vector.broadcast %div3A_533 : vector<288x1xf32> to vector<288x128xf32>
    %mul3A_537 = arith.mulf %dot_general3A_535, %mul3A_536 : vector<288x128xf32>
    %slice3A_538 = vector.extract_strided_slice %add3A_9 {offsets = [576, 512], sizes = [288, 128], strides = [1, 1]} : vector<1152x3072xf32> to vector<288x128xf32>
    %mul3A_539 = arith.constant 0.127517432 : f32
    %mul3A_540 = vector.broadcast %mul3A_539 : f32 to vector<288x128xf32>
    %mul3A_541 = arith.mulf %slice3A_538, %mul3A_540 : vector<288x128xf32>
    %slice3A_542 = vector.extract_strided_slice %add3A_9 {offsets = [576, 1536], sizes = [288, 128], strides = [1, 1]} : vector<1152x3072xf32> to vector<288x128xf32>
    %slice3A_543 = vector.extract_strided_slice %add3A_9 {offsets = [576, 2560], sizes = [288, 128], strides = [1, 1]} : vector<1152x3072xf32> to vector<288x128xf32>
    %dot_general3A_544 = arith.constant dense<0.000000e+00> : vector<288x288xf32>
    %dot_general3A_545 = tpu.matmul %mul3A_541, %slice3A_542, %dot_general3A_544 {dimension_numbers = #tpu.dot_dimension_numbers<[1], [1], [0], [0], [0, 0, 1, 0], [], []>, transpose_lhs_hint = false} : vector<288x128xf32>, vector<288x128xf32>, vector<288x288xf32> -> vector<288x288xf32>
    %reduce_max3A_546 = arith.constant dense<0xFF800000> : vector<288xf32>
    %reduce_max3A_547 = vector.multi_reduction <maximumf>, %dot_general3A_545, %reduce_max3A_546 [1] : vector<288x288xf32> to vector<288xf32>
    %broadcast_in_dim3A_548 = vector.shape_cast %reduce_max3A_547 : vector<288xf32> to vector<288x1xf32>
    %sub3A_549 = vector.broadcast %broadcast_in_dim3A_548 : vector<288x1xf32> to vector<288x288xf32>
    %sub3A_550 = arith.subf %dot_general3A_545, %sub3A_549 : vector<288x288xf32>
    %add3A_551 = vector.broadcast %get3A_433 : vector<1x288xf32> to vector<288x288xf32>
    %add3A_552 = arith.addf %sub3A_550, %add3A_551 : vector<288x288xf32>
    %exp23A_553 = math.exp2 %add3A_552 : vector<288x288xf32>
    %reduce_sum3A_554 = arith.constant dense<0.000000e+00> : vector<288xf32>
    %reduce_sum3A_555 = vector.multi_reduction <add>, %exp23A_553, %reduce_sum3A_554 [1] : vector<288x288xf32> to vector<288xf32>
    %broadcast_in_dim3A_556 = vector.shape_cast %reduce_sum3A_555 : vector<288xf32> to vector<288x1xf32>
    %div3A_557 = arith.constant 1.000000e+00 : f32
    %div3A_558 = vector.broadcast %div3A_557 : f32 to vector<288x1xf32>
    %div3A_559 = arith.divf %div3A_558, %broadcast_in_dim3A_556 : vector<288x1xf32>
    %dot_general3A_560 = arith.constant dense<0.000000e+00> : vector<288x128xf32>
    %dot_general3A_561 = tpu.matmul %exp23A_553, %slice3A_543, %dot_general3A_560 {dimension_numbers = #tpu.dot_dimension_numbers<[1], [0], [0], [1], [0, 0, 1, 1], [], []>, transpose_lhs_hint = false} : vector<288x288xf32>, vector<288x128xf32>, vector<288x128xf32> -> vector<288x128xf32>
    %mul3A_562 = vector.broadcast %div3A_559 : vector<288x1xf32> to vector<288x128xf32>
    %mul3A_563 = arith.mulf %dot_general3A_561, %mul3A_562 : vector<288x128xf32>
    %slice3A_564 = vector.extract_strided_slice %add3A_9 {offsets = [576, 640], sizes = [288, 128], strides = [1, 1]} : vector<1152x3072xf32> to vector<288x128xf32>
    %mul3A_565 = arith.constant 0.127517432 : f32
    %mul3A_566 = vector.broadcast %mul3A_565 : f32 to vector<288x128xf32>
    %mul3A_567 = arith.mulf %slice3A_564, %mul3A_566 : vector<288x128xf32>
    %slice3A_568 = vector.extract_strided_slice %add3A_9 {offsets = [576, 1664], sizes = [288, 128], strides = [1, 1]} : vector<1152x3072xf32> to vector<288x128xf32>
    %slice3A_569 = vector.extract_strided_slice %add3A_9 {offsets = [576, 2688], sizes = [288, 128], strides = [1, 1]} : vector<1152x3072xf32> to vector<288x128xf32>
    %dot_general3A_570 = arith.constant dense<0.000000e+00> : vector<288x288xf32>
    %dot_general3A_571 = tpu.matmul %mul3A_567, %slice3A_568, %dot_general3A_570 {dimension_numbers = #tpu.dot_dimension_numbers<[1], [1], [0], [0], [0, 0, 1, 0], [], []>, transpose_lhs_hint = false} : vector<288x128xf32>, vector<288x128xf32>, vector<288x288xf32> -> vector<288x288xf32>
    %reduce_max3A_572 = arith.constant dense<0xFF800000> : vector<288xf32>
    %reduce_max3A_573 = vector.multi_reduction <maximumf>, %dot_general3A_571, %reduce_max3A_572 [1] : vector<288x288xf32> to vector<288xf32>
    %broadcast_in_dim3A_574 = vector.shape_cast %reduce_max3A_573 : vector<288xf32> to vector<288x1xf32>
    %sub3A_575 = vector.broadcast %broadcast_in_dim3A_574 : vector<288x1xf32> to vector<288x288xf32>
    %sub3A_576 = arith.subf %dot_general3A_571, %sub3A_575 : vector<288x288xf32>
    %add3A_577 = vector.broadcast %get3A_433 : vector<1x288xf32> to vector<288x288xf32>
    %add3A_578 = arith.addf %sub3A_576, %add3A_577 : vector<288x288xf32>
    %exp23A_579 = math.exp2 %add3A_578 : vector<288x288xf32>
    %reduce_sum3A_580 = arith.constant dense<0.000000e+00> : vector<288xf32>
    %reduce_sum3A_581 = vector.multi_reduction <add>, %exp23A_579, %reduce_sum3A_580 [1] : vector<288x288xf32> to vector<288xf32>
    %broadcast_in_dim3A_582 = vector.shape_cast %reduce_sum3A_581 : vector<288xf32> to vector<288x1xf32>
    %div3A_583 = arith.constant 1.000000e+00 : f32
    %div3A_584 = vector.broadcast %div3A_583 : f32 to vector<288x1xf32>
    %div3A_585 = arith.divf %div3A_584, %broadcast_in_dim3A_582 : vector<288x1xf32>
    %dot_general3A_586 = arith.constant dense<0.000000e+00> : vector<288x128xf32>
    %dot_general3A_587 = tpu.matmul %exp23A_579, %slice3A_569, %dot_general3A_586 {dimension_numbers = #tpu.dot_dimension_numbers<[1], [0], [0], [1], [0, 0, 1, 1], [], []>, transpose_lhs_hint = false} : vector<288x288xf32>, vector<288x128xf32>, vector<288x128xf32> -> vector<288x128xf32>
    %mul3A_588 = vector.broadcast %div3A_585 : vector<288x1xf32> to vector<288x128xf32>
    %mul3A_589 = arith.mulf %dot_general3A_587, %mul3A_588 : vector<288x128xf32>
    %slice3A_590 = vector.extract_strided_slice %add3A_9 {offsets = [576, 768], sizes = [288, 128], strides = [1, 1]} : vector<1152x3072xf32> to vector<288x128xf32>
    %mul3A_591 = arith.constant 0.127517432 : f32
    %mul3A_592 = vector.broadcast %mul3A_591 : f32 to vector<288x128xf32>
    %mul3A_593 = arith.mulf %slice3A_590, %mul3A_592 : vector<288x128xf32>
    %slice3A_594 = vector.extract_strided_slice %add3A_9 {offsets = [576, 1792], sizes = [288, 128], strides = [1, 1]} : vector<1152x3072xf32> to vector<288x128xf32>
    %slice3A_595 = vector.extract_strided_slice %add3A_9 {offsets = [576, 2816], sizes = [288, 128], strides = [1, 1]} : vector<1152x3072xf32> to vector<288x128xf32>
    %dot_general3A_596 = arith.constant dense<0.000000e+00> : vector<288x288xf32>
    %dot_general3A_597 = tpu.matmul %mul3A_593, %slice3A_594, %dot_general3A_596 {dimension_numbers = #tpu.dot_dimension_numbers<[1], [1], [0], [0], [0, 0, 1, 0], [], []>, transpose_lhs_hint = false} : vector<288x128xf32>, vector<288x128xf32>, vector<288x288xf32> -> vector<288x288xf32>
    %reduce_max3A_598 = arith.constant dense<0xFF800000> : vector<288xf32>
    %reduce_max3A_599 = vector.multi_reduction <maximumf>, %dot_general3A_597, %reduce_max3A_598 [1] : vector<288x288xf32> to vector<288xf32>
    %broadcast_in_dim3A_600 = vector.shape_cast %reduce_max3A_599 : vector<288xf32> to vector<288x1xf32>
    %sub3A_601 = vector.broadcast %broadcast_in_dim3A_600 : vector<288x1xf32> to vector<288x288xf32>
    %sub3A_602 = arith.subf %dot_general3A_597, %sub3A_601 : vector<288x288xf32>
    %add3A_603 = vector.broadcast %get3A_433 : vector<1x288xf32> to vector<288x288xf32>
    %add3A_604 = arith.addf %sub3A_602, %add3A_603 : vector<288x288xf32>
    %exp23A_605 = math.exp2 %add3A_604 : vector<288x288xf32>
    %reduce_sum3A_606 = arith.constant dense<0.000000e+00> : vector<288xf32>
    %reduce_sum3A_607 = vector.multi_reduction <add>, %exp23A_605, %reduce_sum3A_606 [1] : vector<288x288xf32> to vector<288xf32>
    %broadcast_in_dim3A_608 = vector.shape_cast %reduce_sum3A_607 : vector<288xf32> to vector<288x1xf32>
    %div3A_609 = arith.constant 1.000000e+00 : f32
    %div3A_610 = vector.broadcast %div3A_609 : f32 to vector<288x1xf32>
    %div3A_611 = arith.divf %div3A_610, %broadcast_in_dim3A_608 : vector<288x1xf32>
    %dot_general3A_612 = arith.constant dense<0.000000e+00> : vector<288x128xf32>
    %dot_general3A_613 = tpu.matmul %exp23A_605, %slice3A_595, %dot_general3A_612 {dimension_numbers = #tpu.dot_dimension_numbers<[1], [0], [0], [1], [0, 0, 1, 1], [], []>, transpose_lhs_hint = false} : vector<288x288xf32>, vector<288x128xf32>, vector<288x128xf32> -> vector<288x128xf32>
    %mul3A_614 = vector.broadcast %div3A_611 : vector<288x1xf32> to vector<288x128xf32>
    %mul3A_615 = arith.mulf %dot_general3A_613, %mul3A_614 : vector<288x128xf32>
    %slice3A_616 = vector.extract_strided_slice %add3A_9 {offsets = [576, 896], sizes = [288, 128], strides = [1, 1]} : vector<1152x3072xf32> to vector<288x128xf32>
    %mul3A_617 = arith.constant 0.127517432 : f32
    %mul3A_618 = vector.broadcast %mul3A_617 : f32 to vector<288x128xf32>
    %mul3A_619 = arith.mulf %slice3A_616, %mul3A_618 : vector<288x128xf32>
    %slice3A_620 = vector.extract_strided_slice %add3A_9 {offsets = [576, 1920], sizes = [288, 128], strides = [1, 1]} : vector<1152x3072xf32> to vector<288x128xf32>
    %slice3A_621 = vector.extract_strided_slice %add3A_9 {offsets = [576, 2944], sizes = [288, 128], strides = [1, 1]} : vector<1152x3072xf32> to vector<288x128xf32>
    %dot_general3A_622 = arith.constant dense<0.000000e+00> : vector<288x288xf32>
    %dot_general3A_623 = tpu.matmul %mul3A_619, %slice3A_620, %dot_general3A_622 {dimension_numbers = #tpu.dot_dimension_numbers<[1], [1], [0], [0], [0, 0, 1, 0], [], []>, transpose_lhs_hint = false} : vector<288x128xf32>, vector<288x128xf32>, vector<288x288xf32> -> vector<288x288xf32>
    %reduce_max3A_624 = arith.constant dense<0xFF800000> : vector<288xf32>
    %reduce_max3A_625 = vector.multi_reduction <maximumf>, %dot_general3A_623, %reduce_max3A_624 [1] : vector<288x288xf32> to vector<288xf32>
    %broadcast_in_dim3A_626 = vector.shape_cast %reduce_max3A_625 : vector<288xf32> to vector<288x1xf32>
    %sub3A_627 = vector.broadcast %broadcast_in_dim3A_626 : vector<288x1xf32> to vector<288x288xf32>
    %sub3A_628 = arith.subf %dot_general3A_623, %sub3A_627 : vector<288x288xf32>
    %add3A_629 = vector.broadcast %get3A_433 : vector<1x288xf32> to vector<288x288xf32>
    %add3A_630 = arith.addf %sub3A_628, %add3A_629 : vector<288x288xf32>
    %exp23A_631 = math.exp2 %add3A_630 : vector<288x288xf32>
    %reduce_sum3A_632 = arith.constant dense<0.000000e+00> : vector<288xf32>
    %reduce_sum3A_633 = vector.multi_reduction <add>, %exp23A_631, %reduce_sum3A_632 [1] : vector<288x288xf32> to vector<288xf32>
    %broadcast_in_dim3A_634 = vector.shape_cast %reduce_sum3A_633 : vector<288xf32> to vector<288x1xf32>
    %div3A_635 = arith.constant 1.000000e+00 : f32
    %div3A_636 = vector.broadcast %div3A_635 : f32 to vector<288x1xf32>
    %div3A_637 = arith.divf %div3A_636, %broadcast_in_dim3A_634 : vector<288x1xf32>
    %dot_general3A_638 = arith.constant dense<0.000000e+00> : vector<288x128xf32>
    %dot_general3A_639 = tpu.matmul %exp23A_631, %slice3A_621, %dot_general3A_638 {dimension_numbers = #tpu.dot_dimension_numbers<[1], [0], [0], [1], [0, 0, 1, 1], [], []>, transpose_lhs_hint = false} : vector<288x288xf32>, vector<288x128xf32>, vector<288x128xf32> -> vector<288x128xf32>
    %mul3A_640 = vector.broadcast %div3A_637 : vector<288x1xf32> to vector<288x128xf32>
    %mul3A_641 = arith.mulf %dot_general3A_639, %mul3A_640 : vector<288x128xf32>
    %concatenate3A_642 = tpu.concatenate %mul3A_459, %mul3A_485, %mul3A_511, %mul3A_537, %mul3A_563, %mul3A_589, %mul3A_615, %mul3A_641 in 1 : vector<288x128xf32>, vector<288x128xf32>, vector<288x128xf32>, vector<288x128xf32>, vector<288x128xf32>, vector<288x128xf32>, vector<288x128xf32>, vector<288x128xf32> -> vector<288x1024xf32>
    %get3A_643 = arith.constant 3 : index
    %get3A_644 = arith.constant 0 : index
    %get3A_645 = arith.constant 0 : index
    %get3A_646 = vector.load %arg6[%get3A_643, %get3A_644, %get3A_645] : memref<4x8x288xf32, #tpu.memory_space<vmem>>, vector<1x1x288xf32>
    %get3A_647 = vector.shape_cast %get3A_646 : vector<1x1x288xf32> to vector<1x288xf32>
    %slice3A_648 = vector.extract_strided_slice %add3A_9 {offsets = [864, 0], sizes = [288, 128], strides = [1, 1]} : vector<1152x3072xf32> to vector<288x128xf32>
    %mul3A_649 = arith.constant 0.127517432 : f32
    %mul3A_650 = vector.broadcast %mul3A_649 : f32 to vector<288x128xf32>
    %mul3A_651 = arith.mulf %slice3A_648, %mul3A_650 : vector<288x128xf32>
    %slice3A_652 = vector.extract_strided_slice %add3A_9 {offsets = [864, 1024], sizes = [288, 128], strides = [1, 1]} : vector<1152x3072xf32> to vector<288x128xf32>
    %slice3A_653 = vector.extract_strided_slice %add3A_9 {offsets = [864, 2048], sizes = [288, 128], strides = [1, 1]} : vector<1152x3072xf32> to vector<288x128xf32>
    %dot_general3A_654 = arith.constant dense<0.000000e+00> : vector<288x288xf32>
    %dot_general3A_655 = tpu.matmul %mul3A_651, %slice3A_652, %dot_general3A_654 {dimension_numbers = #tpu.dot_dimension_numbers<[1], [1], [0], [0], [0, 0, 1, 0], [], []>, transpose_lhs_hint = false} : vector<288x128xf32>, vector<288x128xf32>, vector<288x288xf32> -> vector<288x288xf32>
    %reduce_max3A_656 = arith.constant dense<0xFF800000> : vector<288xf32>
    %reduce_max3A_657 = vector.multi_reduction <maximumf>, %dot_general3A_655, %reduce_max3A_656 [1] : vector<288x288xf32> to vector<288xf32>
    %broadcast_in_dim3A_658 = vector.shape_cast %reduce_max3A_657 : vector<288xf32> to vector<288x1xf32>
    %sub3A_659 = vector.broadcast %broadcast_in_dim3A_658 : vector<288x1xf32> to vector<288x288xf32>
    %sub3A_660 = arith.subf %dot_general3A_655, %sub3A_659 : vector<288x288xf32>
    %add3A_661 = vector.broadcast %get3A_647 : vector<1x288xf32> to vector<288x288xf32>
    %add3A_662 = arith.addf %sub3A_660, %add3A_661 : vector<288x288xf32>
    %exp23A_663 = math.exp2 %add3A_662 : vector<288x288xf32>
    %reduce_sum3A_664 = arith.constant dense<0.000000e+00> : vector<288xf32>
    %reduce_sum3A_665 = vector.multi_reduction <add>, %exp23A_663, %reduce_sum3A_664 [1] : vector<288x288xf32> to vector<288xf32>
    %broadcast_in_dim3A_666 = vector.shape_cast %reduce_sum3A_665 : vector<288xf32> to vector<288x1xf32>
    %div3A_667 = arith.constant 1.000000e+00 : f32
    %div3A_668 = vector.broadcast %div3A_667 : f32 to vector<288x1xf32>
    %div3A_669 = arith.divf %div3A_668, %broadcast_in_dim3A_666 : vector<288x1xf32>
    %dot_general3A_670 = arith.constant dense<0.000000e+00> : vector<288x128xf32>
    %dot_general3A_671 = tpu.matmul %exp23A_663, %slice3A_653, %dot_general3A_670 {dimension_numbers = #tpu.dot_dimension_numbers<[1], [0], [0], [1], [0, 0, 1, 1], [], []>, transpose_lhs_hint = false} : vector<288x288xf32>, vector<288x128xf32>, vector<288x128xf32> -> vector<288x128xf32>
    %mul3A_672 = vector.broadcast %div3A_669 : vector<288x1xf32> to vector<288x128xf32>
    %mul3A_673 = arith.mulf %dot_general3A_671, %mul3A_672 : vector<288x128xf32>
    %slice3A_674 = vector.extract_strided_slice %add3A_9 {offsets = [864, 128], sizes = [288, 128], strides = [1, 1]} : vector<1152x3072xf32> to vector<288x128xf32>
    %mul3A_675 = arith.constant 0.127517432 : f32
    %mul3A_676 = vector.broadcast %mul3A_675 : f32 to vector<288x128xf32>
    %mul3A_677 = arith.mulf %slice3A_674, %mul3A_676 : vector<288x128xf32>
    %slice3A_678 = vector.extract_strided_slice %add3A_9 {offsets = [864, 1152], sizes = [288, 128], strides = [1, 1]} : vector<1152x3072xf32> to vector<288x128xf32>
    %slice3A_679 = vector.extract_strided_slice %add3A_9 {offsets = [864, 2176], sizes = [288, 128], strides = [1, 1]} : vector<1152x3072xf32> to vector<288x128xf32>
    %dot_general3A_680 = arith.constant dense<0.000000e+00> : vector<288x288xf32>
    %dot_general3A_681 = tpu.matmul %mul3A_677, %slice3A_678, %dot_general3A_680 {dimension_numbers = #tpu.dot_dimension_numbers<[1], [1], [0], [0], [0, 0, 1, 0], [], []>, transpose_lhs_hint = false} : vector<288x128xf32>, vector<288x128xf32>, vector<288x288xf32> -> vector<288x288xf32>
    %reduce_max3A_682 = arith.constant dense<0xFF800000> : vector<288xf32>
    %reduce_max3A_683 = vector.multi_reduction <maximumf>, %dot_general3A_681, %reduce_max3A_682 [1] : vector<288x288xf32> to vector<288xf32>
    %broadcast_in_dim3A_684 = vector.shape_cast %reduce_max3A_683 : vector<288xf32> to vector<288x1xf32>
    %sub3A_685 = vector.broadcast %broadcast_in_dim3A_684 : vector<288x1xf32> to vector<288x288xf32>
    %sub3A_686 = arith.subf %dot_general3A_681, %sub3A_685 : vector<288x288xf32>
    %add3A_687 = vector.broadcast %get3A_647 : vector<1x288xf32> to vector<288x288xf32>
    %add3A_688 = arith.addf %sub3A_686, %add3A_687 : vector<288x288xf32>
    %exp23A_689 = math.exp2 %add3A_688 : vector<288x288xf32>
    %reduce_sum3A_690 = arith.constant dense<0.000000e+00> : vector<288xf32>
    %reduce_sum3A_691 = vector.multi_reduction <add>, %exp23A_689, %reduce_sum3A_690 [1] : vector<288x288xf32> to vector<288xf32>
    %broadcast_in_dim3A_692 = vector.shape_cast %reduce_sum3A_691 : vector<288xf32> to vector<288x1xf32>
    %div3A_693 = arith.constant 1.000000e+00 : f32
    %div3A_694 = vector.broadcast %div3A_693 : f32 to vector<288x1xf32>
    %div3A_695 = arith.divf %div3A_694, %broadcast_in_dim3A_692 : vector<288x1xf32>
    %dot_general3A_696 = arith.constant dense<0.000000e+00> : vector<288x128xf32>
    %dot_general3A_697 = tpu.matmul %exp23A_689, %slice3A_679, %dot_general3A_696 {dimension_numbers = #tpu.dot_dimension_numbers<[1], [0], [0], [1], [0, 0, 1, 1], [], []>, transpose_lhs_hint = false} : vector<288x288xf32>, vector<288x128xf32>, vector<288x128xf32> -> vector<288x128xf32>
    %mul3A_698 = vector.broadcast %div3A_695 : vector<288x1xf32> to vector<288x128xf32>
    %mul3A_699 = arith.mulf %dot_general3A_697, %mul3A_698 : vector<288x128xf32>
    %slice3A_700 = vector.extract_strided_slice %add3A_9 {offsets = [864, 256], sizes = [288, 128], strides = [1, 1]} : vector<1152x3072xf32> to vector<288x128xf32>
    %mul3A_701 = arith.constant 0.127517432 : f32
    %mul3A_702 = vector.broadcast %mul3A_701 : f32 to vector<288x128xf32>
    %mul3A_703 = arith.mulf %slice3A_700, %mul3A_702 : vector<288x128xf32>
    %slice3A_704 = vector.extract_strided_slice %add3A_9 {offsets = [864, 1280], sizes = [288, 128], strides = [1, 1]} : vector<1152x3072xf32> to vector<288x128xf32>
    %slice3A_705 = vector.extract_strided_slice %add3A_9 {offsets = [864, 2304], sizes = [288, 128], strides = [1, 1]} : vector<1152x3072xf32> to vector<288x128xf32>
    %dot_general3A_706 = arith.constant dense<0.000000e+00> : vector<288x288xf32>
    %dot_general3A_707 = tpu.matmul %mul3A_703, %slice3A_704, %dot_general3A_706 {dimension_numbers = #tpu.dot_dimension_numbers<[1], [1], [0], [0], [0, 0, 1, 0], [], []>, transpose_lhs_hint = false} : vector<288x128xf32>, vector<288x128xf32>, vector<288x288xf32> -> vector<288x288xf32>
    %reduce_max3A_708 = arith.constant dense<0xFF800000> : vector<288xf32>
    %reduce_max3A_709 = vector.multi_reduction <maximumf>, %dot_general3A_707, %reduce_max3A_708 [1] : vector<288x288xf32> to vector<288xf32>
    %broadcast_in_dim3A_710 = vector.shape_cast %reduce_max3A_709 : vector<288xf32> to vector<288x1xf32>
    %sub3A_711 = vector.broadcast %broadcast_in_dim3A_710 : vector<288x1xf32> to vector<288x288xf32>
    %sub3A_712 = arith.subf %dot_general3A_707, %sub3A_711 : vector<288x288xf32>
    %add3A_713 = vector.broadcast %get3A_647 : vector<1x288xf32> to vector<288x288xf32>
    %add3A_714 = arith.addf %sub3A_712, %add3A_713 : vector<288x288xf32>
    %exp23A_715 = math.exp2 %add3A_714 : vector<288x288xf32>
    %reduce_sum3A_716 = arith.constant dense<0.000000e+00> : vector<288xf32>
    %reduce_sum3A_717 = vector.multi_reduction <add>, %exp23A_715, %reduce_sum3A_716 [1] : vector<288x288xf32> to vector<288xf32>
    %broadcast_in_dim3A_718 = vector.shape_cast %reduce_sum3A_717 : vector<288xf32> to vector<288x1xf32>
    %div3A_719 = arith.constant 1.000000e+00 : f32
    %div3A_720 = vector.broadcast %div3A_719 : f32 to vector<288x1xf32>
    %div3A_721 = arith.divf %div3A_720, %broadcast_in_dim3A_718 : vector<288x1xf32>
    %dot_general3A_722 = arith.constant dense<0.000000e+00> : vector<288x128xf32>
    %dot_general3A_723 = tpu.matmul %exp23A_715, %slice3A_705, %dot_general3A_722 {dimension_numbers = #tpu.dot_dimension_numbers<[1], [0], [0], [1], [0, 0, 1, 1], [], []>, transpose_lhs_hint = false} : vector<288x288xf32>, vector<288x128xf32>, vector<288x128xf32> -> vector<288x128xf32>
    %mul3A_724 = vector.broadcast %div3A_721 : vector<288x1xf32> to vector<288x128xf32>
    %mul3A_725 = arith.mulf %dot_general3A_723, %mul3A_724 : vector<288x128xf32>
    %slice3A_726 = vector.extract_strided_slice %add3A_9 {offsets = [864, 384], sizes = [288, 128], strides = [1, 1]} : vector<1152x3072xf32> to vector<288x128xf32>
    %mul3A_727 = arith.constant 0.127517432 : f32
    %mul3A_728 = vector.broadcast %mul3A_727 : f32 to vector<288x128xf32>
    %mul3A_729 = arith.mulf %slice3A_726, %mul3A_728 : vector<288x128xf32>
    %slice3A_730 = vector.extract_strided_slice %add3A_9 {offsets = [864, 1408], sizes = [288, 128], strides = [1, 1]} : vector<1152x3072xf32> to vector<288x128xf32>
    %slice3A_731 = vector.extract_strided_slice %add3A_9 {offsets = [864, 2432], sizes = [288, 128], strides = [1, 1]} : vector<1152x3072xf32> to vector<288x128xf32>
    %dot_general3A_732 = arith.constant dense<0.000000e+00> : vector<288x288xf32>
    %dot_general3A_733 = tpu.matmul %mul3A_729, %slice3A_730, %dot_general3A_732 {dimension_numbers = #tpu.dot_dimension_numbers<[1], [1], [0], [0], [0, 0, 1, 0], [], []>, transpose_lhs_hint = false} : vector<288x128xf32>, vector<288x128xf32>, vector<288x288xf32> -> vector<288x288xf32>
    %reduce_max3A_734 = arith.constant dense<0xFF800000> : vector<288xf32>
    %reduce_max3A_735 = vector.multi_reduction <maximumf>, %dot_general3A_733, %reduce_max3A_734 [1] : vector<288x288xf32> to vector<288xf32>
    %broadcast_in_dim3A_736 = vector.shape_cast %reduce_max3A_735 : vector<288xf32> to vector<288x1xf32>
    %sub3A_737 = vector.broadcast %broadcast_in_dim3A_736 : vector<288x1xf32> to vector<288x288xf32>
    %sub3A_738 = arith.subf %dot_general3A_733, %sub3A_737 : vector<288x288xf32>
    %add3A_739 = vector.broadcast %get3A_647 : vector<1x288xf32> to vector<288x288xf32>
    %add3A_740 = arith.addf %sub3A_738, %add3A_739 : vector<288x288xf32>
    %exp23A_741 = math.exp2 %add3A_740 : vector<288x288xf32>
    %reduce_sum3A_742 = arith.constant dense<0.000000e+00> : vector<288xf32>
    %reduce_sum3A_743 = vector.multi_reduction <add>, %exp23A_741, %reduce_sum3A_742 [1] : vector<288x288xf32> to vector<288xf32>
    %broadcast_in_dim3A_744 = vector.shape_cast %reduce_sum3A_743 : vector<288xf32> to vector<288x1xf32>
    %div3A_745 = arith.constant 1.000000e+00 : f32
    %div3A_746 = vector.broadcast %div3A_745 : f32 to vector<288x1xf32>
    %div3A_747 = arith.divf %div3A_746, %broadcast_in_dim3A_744 : vector<288x1xf32>
    %dot_general3A_748 = arith.constant dense<0.000000e+00> : vector<288x128xf32>
    %dot_general3A_749 = tpu.matmul %exp23A_741, %slice3A_731, %dot_general3A_748 {dimension_numbers = #tpu.dot_dimension_numbers<[1], [0], [0], [1], [0, 0, 1, 1], [], []>, transpose_lhs_hint = false} : vector<288x288xf32>, vector<288x128xf32>, vector<288x128xf32> -> vector<288x128xf32>
    %mul3A_750 = vector.broadcast %div3A_747 : vector<288x1xf32> to vector<288x128xf32>
    %mul3A_751 = arith.mulf %dot_general3A_749, %mul3A_750 : vector<288x128xf32>
    %slice3A_752 = vector.extract_strided_slice %add3A_9 {offsets = [864, 512], sizes = [288, 128], strides = [1, 1]} : vector<1152x3072xf32> to vector<288x128xf32>
    %mul3A_753 = arith.constant 0.127517432 : f32
    %mul3A_754 = vector.broadcast %mul3A_753 : f32 to vector<288x128xf32>
    %mul3A_755 = arith.mulf %slice3A_752, %mul3A_754 : vector<288x128xf32>
    %slice3A_756 = vector.extract_strided_slice %add3A_9 {offsets = [864, 1536], sizes = [288, 128], strides = [1, 1]} : vector<1152x3072xf32> to vector<288x128xf32>
    %slice3A_757 = vector.extract_strided_slice %add3A_9 {offsets = [864, 2560], sizes = [288, 128], strides = [1, 1]} : vector<1152x3072xf32> to vector<288x128xf32>
    %dot_general3A_758 = arith.constant dense<0.000000e+00> : vector<288x288xf32>
    %dot_general3A_759 = tpu.matmul %mul3A_755, %slice3A_756, %dot_general3A_758 {dimension_numbers = #tpu.dot_dimension_numbers<[1], [1], [0], [0], [0, 0, 1, 0], [], []>, transpose_lhs_hint = false} : vector<288x128xf32>, vector<288x128xf32>, vector<288x288xf32> -> vector<288x288xf32>
    %reduce_max3A_760 = arith.constant dense<0xFF800000> : vector<288xf32>
    %reduce_max3A_761 = vector.multi_reduction <maximumf>, %dot_general3A_759, %reduce_max3A_760 [1] : vector<288x288xf32> to vector<288xf32>
    %broadcast_in_dim3A_762 = vector.shape_cast %reduce_max3A_761 : vector<288xf32> to vector<288x1xf32>
    %sub3A_763 = vector.broadcast %broadcast_in_dim3A_762 : vector<288x1xf32> to vector<288x288xf32>
    %sub3A_764 = arith.subf %dot_general3A_759, %sub3A_763 : vector<288x288xf32>
    %add3A_765 = vector.broadcast %get3A_647 : vector<1x288xf32> to vector<288x288xf32>
    %add3A_766 = arith.addf %sub3A_764, %add3A_765 : vector<288x288xf32>
    %exp23A_767 = math.exp2 %add3A_766 : vector<288x288xf32>
    %reduce_sum3A_768 = arith.constant dense<0.000000e+00> : vector<288xf32>
    %reduce_sum3A_769 = vector.multi_reduction <add>, %exp23A_767, %reduce_sum3A_768 [1] : vector<288x288xf32> to vector<288xf32>
    %broadcast_in_dim3A_770 = vector.shape_cast %reduce_sum3A_769 : vector<288xf32> to vector<288x1xf32>
    %div3A_771 = arith.constant 1.000000e+00 : f32
    %div3A_772 = vector.broadcast %div3A_771 : f32 to vector<288x1xf32>
    %div3A_773 = arith.divf %div3A_772, %broadcast_in_dim3A_770 : vector<288x1xf32>
    %dot_general3A_774 = arith.constant dense<0.000000e+00> : vector<288x128xf32>
    %dot_general3A_775 = tpu.matmul %exp23A_767, %slice3A_757, %dot_general3A_774 {dimension_numbers = #tpu.dot_dimension_numbers<[1], [0], [0], [1], [0, 0, 1, 1], [], []>, transpose_lhs_hint = false} : vector<288x288xf32>, vector<288x128xf32>, vector<288x128xf32> -> vector<288x128xf32>
    %mul3A_776 = vector.broadcast %div3A_773 : vector<288x1xf32> to vector<288x128xf32>
    %mul3A_777 = arith.mulf %dot_general3A_775, %mul3A_776 : vector<288x128xf32>
    %slice3A_778 = vector.extract_strided_slice %add3A_9 {offsets = [864, 640], sizes = [288, 128], strides = [1, 1]} : vector<1152x3072xf32> to vector<288x128xf32>
    %mul3A_779 = arith.constant 0.127517432 : f32
    %mul3A_780 = vector.broadcast %mul3A_779 : f32 to vector<288x128xf32>
    %mul3A_781 = arith.mulf %slice3A_778, %mul3A_780 : vector<288x128xf32>
    %slice3A_782 = vector.extract_strided_slice %add3A_9 {offsets = [864, 1664], sizes = [288, 128], strides = [1, 1]} : vector<1152x3072xf32> to vector<288x128xf32>
    %slice3A_783 = vector.extract_strided_slice %add3A_9 {offsets = [864, 2688], sizes = [288, 128], strides = [1, 1]} : vector<1152x3072xf32> to vector<288x128xf32>
    %dot_general3A_784 = arith.constant dense<0.000000e+00> : vector<288x288xf32>
    %dot_general3A_785 = tpu.matmul %mul3A_781, %slice3A_782, %dot_general3A_784 {dimension_numbers = #tpu.dot_dimension_numbers<[1], [1], [0], [0], [0, 0, 1, 0], [], []>, transpose_lhs_hint = false} : vector<288x128xf32>, vector<288x128xf32>, vector<288x288xf32> -> vector<288x288xf32>
    %reduce_max3A_786 = arith.constant dense<0xFF800000> : vector<288xf32>
    %reduce_max3A_787 = vector.multi_reduction <maximumf>, %dot_general3A_785, %reduce_max3A_786 [1] : vector<288x288xf32> to vector<288xf32>
    %broadcast_in_dim3A_788 = vector.shape_cast %reduce_max3A_787 : vector<288xf32> to vector<288x1xf32>
    %sub3A_789 = vector.broadcast %broadcast_in_dim3A_788 : vector<288x1xf32> to vector<288x288xf32>
    %sub3A_790 = arith.subf %dot_general3A_785, %sub3A_789 : vector<288x288xf32>
    %add3A_791 = vector.broadcast %get3A_647 : vector<1x288xf32> to vector<288x288xf32>
    %add3A_792 = arith.addf %sub3A_790, %add3A_791 : vector<288x288xf32>
    %exp23A_793 = math.exp2 %add3A_792 : vector<288x288xf32>
    %reduce_sum3A_794 = arith.constant dense<0.000000e+00> : vector<288xf32>
    %reduce_sum3A_795 = vector.multi_reduction <add>, %exp23A_793, %reduce_sum3A_794 [1] : vector<288x288xf32> to vector<288xf32>
    %broadcast_in_dim3A_796 = vector.shape_cast %reduce_sum3A_795 : vector<288xf32> to vector<288x1xf32>
    %div3A_797 = arith.constant 1.000000e+00 : f32
    %div3A_798 = vector.broadcast %div3A_797 : f32 to vector<288x1xf32>
    %div3A_799 = arith.divf %div3A_798, %broadcast_in_dim3A_796 : vector<288x1xf32>
    %dot_general3A_800 = arith.constant dense<0.000000e+00> : vector<288x128xf32>
    %dot_general3A_801 = tpu.matmul %exp23A_793, %slice3A_783, %dot_general3A_800 {dimension_numbers = #tpu.dot_dimension_numbers<[1], [0], [0], [1], [0, 0, 1, 1], [], []>, transpose_lhs_hint = false} : vector<288x288xf32>, vector<288x128xf32>, vector<288x128xf32> -> vector<288x128xf32>
    %mul3A_802 = vector.broadcast %div3A_799 : vector<288x1xf32> to vector<288x128xf32>
    %mul3A_803 = arith.mulf %dot_general3A_801, %mul3A_802 : vector<288x128xf32>
    %slice3A_804 = vector.extract_strided_slice %add3A_9 {offsets = [864, 768], sizes = [288, 128], strides = [1, 1]} : vector<1152x3072xf32> to vector<288x128xf32>
    %mul3A_805 = arith.constant 0.127517432 : f32
    %mul3A_806 = vector.broadcast %mul3A_805 : f32 to vector<288x128xf32>
    %mul3A_807 = arith.mulf %slice3A_804, %mul3A_806 : vector<288x128xf32>
    %slice3A_808 = vector.extract_strided_slice %add3A_9 {offsets = [864, 1792], sizes = [288, 128], strides = [1, 1]} : vector<1152x3072xf32> to vector<288x128xf32>
    %slice3A_809 = vector.extract_strided_slice %add3A_9 {offsets = [864, 2816], sizes = [288, 128], strides = [1, 1]} : vector<1152x3072xf32> to vector<288x128xf32>
    %dot_general3A_810 = arith.constant dense<0.000000e+00> : vector<288x288xf32>
    %dot_general3A_811 = tpu.matmul %mul3A_807, %slice3A_808, %dot_general3A_810 {dimension_numbers = #tpu.dot_dimension_numbers<[1], [1], [0], [0], [0, 0, 1, 0], [], []>, transpose_lhs_hint = false} : vector<288x128xf32>, vector<288x128xf32>, vector<288x288xf32> -> vector<288x288xf32>
    %reduce_max3A_812 = arith.constant dense<0xFF800000> : vector<288xf32>
    %reduce_max3A_813 = vector.multi_reduction <maximumf>, %dot_general3A_811, %reduce_max3A_812 [1] : vector<288x288xf32> to vector<288xf32>
    %broadcast_in_dim3A_814 = vector.shape_cast %reduce_max3A_813 : vector<288xf32> to vector<288x1xf32>
    %sub3A_815 = vector.broadcast %broadcast_in_dim3A_814 : vector<288x1xf32> to vector<288x288xf32>
    %sub3A_816 = arith.subf %dot_general3A_811, %sub3A_815 : vector<288x288xf32>
    %add3A_817 = vector.broadcast %get3A_647 : vector<1x288xf32> to vector<288x288xf32>
    %add3A_818 = arith.addf %sub3A_816, %add3A_817 : vector<288x288xf32>
    %exp23A_819 = math.exp2 %add3A_818 : vector<288x288xf32>
    %reduce_sum3A_820 = arith.constant dense<0.000000e+00> : vector<288xf32>
    %reduce_sum3A_821 = vector.multi_reduction <add>, %exp23A_819, %reduce_sum3A_820 [1] : vector<288x288xf32> to vector<288xf32>
    %broadcast_in_dim3A_822 = vector.shape_cast %reduce_sum3A_821 : vector<288xf32> to vector<288x1xf32>
    %div3A_823 = arith.constant 1.000000e+00 : f32
    %div3A_824 = vector.broadcast %div3A_823 : f32 to vector<288x1xf32>
    %div3A_825 = arith.divf %div3A_824, %broadcast_in_dim3A_822 : vector<288x1xf32>
    %dot_general3A_826 = arith.constant dense<0.000000e+00> : vector<288x128xf32>
    %dot_general3A_827 = tpu.matmul %exp23A_819, %slice3A_809, %dot_general3A_826 {dimension_numbers = #tpu.dot_dimension_numbers<[1], [0], [0], [1], [0, 0, 1, 1], [], []>, transpose_lhs_hint = false} : vector<288x288xf32>, vector<288x128xf32>, vector<288x128xf32> -> vector<288x128xf32>
    %mul3A_828 = vector.broadcast %div3A_825 : vector<288x1xf32> to vector<288x128xf32>
    %mul3A_829 = arith.mulf %dot_general3A_827, %mul3A_828 : vector<288x128xf32>
    %slice3A_830 = vector.extract_strided_slice %add3A_9 {offsets = [864, 896], sizes = [288, 128], strides = [1, 1]} : vector<1152x3072xf32> to vector<288x128xf32>
    %mul3A_831 = arith.constant 0.127517432 : f32
    %mul3A_832 = vector.broadcast %mul3A_831 : f32 to vector<288x128xf32>
    %mul3A_833 = arith.mulf %slice3A_830, %mul3A_832 : vector<288x128xf32>
    %slice3A_834 = vector.extract_strided_slice %add3A_9 {offsets = [864, 1920], sizes = [288, 128], strides = [1, 1]} : vector<1152x3072xf32> to vector<288x128xf32>
    %slice3A_835 = vector.extract_strided_slice %add3A_9 {offsets = [864, 2944], sizes = [288, 128], strides = [1, 1]} : vector<1152x3072xf32> to vector<288x128xf32>
    %dot_general3A_836 = arith.constant dense<0.000000e+00> : vector<288x288xf32>
    %dot_general3A_837 = tpu.matmul %mul3A_833, %slice3A_834, %dot_general3A_836 {dimension_numbers = #tpu.dot_dimension_numbers<[1], [1], [0], [0], [0, 0, 1, 0], [], []>, transpose_lhs_hint = false} : vector<288x128xf32>, vector<288x128xf32>, vector<288x288xf32> -> vector<288x288xf32>
    %reduce_max3A_838 = arith.constant dense<0xFF800000> : vector<288xf32>
    %reduce_max3A_839 = vector.multi_reduction <maximumf>, %dot_general3A_837, %reduce_max3A_838 [1] : vector<288x288xf32> to vector<288xf32>
    %broadcast_in_dim3A_840 = vector.shape_cast %reduce_max3A_839 : vector<288xf32> to vector<288x1xf32>
    %sub3A_841 = vector.broadcast %broadcast_in_dim3A_840 : vector<288x1xf32> to vector<288x288xf32>
    %sub3A_842 = arith.subf %dot_general3A_837, %sub3A_841 : vector<288x288xf32>
    %add3A_843 = vector.broadcast %get3A_647 : vector<1x288xf32> to vector<288x288xf32>
    %add3A_844 = arith.addf %sub3A_842, %add3A_843 : vector<288x288xf32>
    %exp23A_845 = math.exp2 %add3A_844 : vector<288x288xf32>
    %reduce_sum3A_846 = arith.constant dense<0.000000e+00> : vector<288xf32>
    %reduce_sum3A_847 = vector.multi_reduction <add>, %exp23A_845, %reduce_sum3A_846 [1] : vector<288x288xf32> to vector<288xf32>
    %broadcast_in_dim3A_848 = vector.shape_cast %reduce_sum3A_847 : vector<288xf32> to vector<288x1xf32>
    %div3A_849 = arith.constant 1.000000e+00 : f32
    %div3A_850 = vector.broadcast %div3A_849 : f32 to vector<288x1xf32>
    %div3A_851 = arith.divf %div3A_850, %broadcast_in_dim3A_848 : vector<288x1xf32>
    %dot_general3A_852 = arith.constant dense<0.000000e+00> : vector<288x128xf32>
    %dot_general3A_853 = tpu.matmul %exp23A_845, %slice3A_835, %dot_general3A_852 {dimension_numbers = #tpu.dot_dimension_numbers<[1], [0], [0], [1], [0, 0, 1, 1], [], []>, transpose_lhs_hint = false} : vector<288x288xf32>, vector<288x128xf32>, vector<288x128xf32> -> vector<288x128xf32>
    %mul3A_854 = vector.broadcast %div3A_851 : vector<288x1xf32> to vector<288x128xf32>
    %mul3A_855 = arith.mulf %dot_general3A_853, %mul3A_854 : vector<288x128xf32>
    %concatenate3A_856 = tpu.concatenate %mul3A_673, %mul3A_699, %mul3A_725, %mul3A_751, %mul3A_777, %mul3A_803, %mul3A_829, %mul3A_855 in 1 : vector<288x128xf32>, vector<288x128xf32>, vector<288x128xf32>, vector<288x128xf32>, vector<288x128xf32>, vector<288x128xf32>, vector<288x128xf32>, vector<288x128xf32> -> vector<288x1024xf32>
    %concatenate3A_857 = tpu.concatenate %concatenate3A, %concatenate3A_428, %concatenate3A_642, %concatenate3A_856 in 0 : vector<288x1024xf32>, vector<288x1024xf32>, vector<288x1024xf32>, vector<288x1024xf32> -> vector<1152x1024xf32>
    %get3A_858 = arith.constant 0 : index
    %get3A_859 = arith.constant 0 : index
    %get3A_860 = vector.load %arg4[%get3A_858, %get3A_859] : memref<1024x1024xf32, #tpu.memory_space<vmem>>, vector<1024x1024xf32>
    %dot_general3A_861 = arith.constant dense<0.000000e+00> : vector<1152x1024xf32>
    %dot_general3A_862 = tpu.matmul %concatenate3A_857, %get3A_860, %dot_general3A_861 {dimension_numbers = #tpu.dot_dimension_numbers<[1], [0], [0], [1], [0, 0, 1, 1], [], []>, transpose_lhs_hint = false} : vector<1152x1024xf32>, vector<1024x1024xf32>, vector<1152x1024xf32> -> vector<1152x1024xf32>
    %get3A_863 = arith.constant 0 : index
    %get3A_864 = arith.constant 0 : index
    %get3A_865 = vector.load %arg5[%get3A_863, %get3A_864] : memref<8x1024xf32, #tpu.memory_space<vmem>>, vector<1x1024xf32>
    %add3A_866 = vector.broadcast %get3A_865 : vector<1x1024xf32> to vector<1152x1024xf32>
    %add3A_867 = arith.addf %dot_general3A_862, %add3A_866 : vector<1152x1024xf32>
    %add3A_868 = arith.addf %add3A_867, %get3A_1 : vector<1152x1024xf32>
    %swap3A = arith.constant 0 : index
    %swap3A_869 = arith.constant 0 : index
    %swap3A_870 = vector.load %arg7[%swap3A, %swap3A_869] : memref<1152x1024xf32, #tpu.memory_space<vmem>>, vector<1152x1024xf32>
    tpu.vector_store %arg7[%swap3A, %swap3A_869], %add3A_868 {strides = array<i32>} : memref<1152x1024xf32, #tpu.memory_space<vmem>>, vector<1152x1024xf32>,
    return
  }
  func.func @transform_0(%arg0: i32) -> (i32, i32) {
    %c0_i32 = arith.constant 0 : i32
    %c0_i32_0 = arith.constant 0 : i32
    return %arg0, %c0_i32 : i32, i32
  }
  func.func @transform_1(%arg0: i32) -> (i32, i32) {
    %c0_i32 = arith.constant 0 : i32
    %c0_i32_0 = arith.constant 0 : i32
    %c0_i32_1 = arith.constant 0 : i32
    return %c0_i32, %c0_i32_0 : i32, i32
  }
  func.func @transform_2(%arg0: i32) -> (i32, i32) {
    %c0_i32 = arith.constant 0 : i32
    %c0_i32_0 = arith.constant 0 : i32
    %c0_i32_1 = arith.constant 0 : i32
    return %c0_i32, %c0_i32_0 : i32, i32
  }
  func.func @transform_3(%arg0: i32) -> (i32, i32) {
    %c0_i32 = arith.constant 0 : i32
    %c0_i32_0 = arith.constant 0 : i32
    %c0_i32_1 = arith.constant 0 : i32
    return %c0_i32, %c0_i32_0 : i32, i32
  }
  func.func @transform_4(%arg0: i32) -> (i32, i32) {
    %c0_i32 = arith.constant 0 : i32
    %c0_i32_0 = arith.constant 0 : i32
    %c0_i32_1 = arith.constant 0 : i32
    return %c0_i32, %c0_i32_0 : i32, i32
  }
  func.func @transform_5(%arg0: i32) -> (i32, i32, i32) {
    %c0_i32 = arith.constant 0 : i32
    %c0_i32_0 = arith.constant 0 : i32
    %c0_i32_1 = arith.constant 0 : i32
    return %arg0, %c0_i32, %c0_i32_0 : i32, i32, i32
  }
  func.func @transform_6(%arg0: i32) -> (i32, i32) {
    %c0_i32 = arith.constant 0 : i32
    %c0_i32_0 = arith.constant 0 : i32
    return %arg0, %c0_i32 : i32, i32
  }
}

</mosaic_0001>

<sc_bundles>
// kernel: kernel.5.cloned.1.call-start
scs
__scs_entry_jumppad:
0x0: {  	(pc) =	sbr.rel $0x88, $3  }
0x1: {  	(tag) =	ssettag $0x0;
	lr =	simm.s32 $0x1  }
0x2: {  	[smem:$0x3F9C] =	sst lr;
	_ =	strace $0xD0000000  }
0x3: {  	_ = 	snop  }
0x4: {  	_ = 	snop  }
0x5: {  	_ = 	snop  }
0x6: {  	_ = 	snop  }
0x7: {  	_ = 	snop  }
__scs_overlays_trampoline_lowered:
0x8: {  	[smem:$0x3FAB] =	sst s0  }
0x9: {  	[smem:$0x3FAC] =	sst s1  }
0xa: {  	[smem:$0x3FAD] =	sst s2  }
0xb: {  	[smem:$0x3FAE] =	sst s3  }
0xc: {  	[smem:$0x3FAF] =	sst s4  }
0xd: {  	[smem:$0x3FB0] =	sst s5  }
0xe: {  	[smem:$0x3FB1] =	sst s6  }
0xf: {  	[smem:$0x3FB2] =	sst s7  }
0x10: {  	[smem:$0x3FB3] =	sst s8  }
0x11: {  	[smem:$0x3FB4] =	sst s9;
	s0 =	simm.s32 @!p0 $0x0  }
0x12: {  	s1 =	sld [smem:$0x3F9A];
	s0 =	simm.s32 @p0 $0x1  }
0x13: {  	[smem:$0x3FB5] =	sst s0;
	s0 =	simm.s32 @!p1 $0x0  }
0x14: {  	s2 =	sld [smem:$0x3F99];
	s0 =	simm.s32 @p1 $0x1  }
0x15: {  	[smem:$0x3FB6] =	sst s0;
	s0 =	simm.s32 @!p2 $0x0  }
0x16: {  	s3 =	sld [smem:$0x3FDB];
	s0 =	simm.s32 @p2 $0x1  }
0x17: {  	s4 =	simm.s32 $0x1BF5;
	[smem:$0x3FB8] =	sst s0  }
0x18: {  	s0 =	sld [smem:$0x3F9B];
	_ =	swait.ge [sflag:s4], $0x0  }
0x19: {  	s7 =	sld [smem:$0x3F9C]  }
0x1a: {  	s8 =	sadd.s32 $0xFFFFE003, lr  }
0x1b: {  	s9 =	sadd.s32 $0xFFFFFEF7, lr;
	s5 =	simm.s32 $0xFFFFFFFF;
	p2 =	slt.u32 s8, $0xFFFFF086  }
0x1c: {  	p1 =	slt.u32 s9, $0xF7A;
	s5 =	simm.s32 @!p2 $0x0  }
0x1d: {  	s5 =	simm.s32 @p1 $0x1;
	p0 =	seq.s32 s7, s2  }
0x1e: {  	s7 =	smul.u32 @!p0 $0xF7A, s2;
	p2 =	seq.s32 @!p0 s5, $0x0  }
0x1f: {  	s9 =	smul.u32 $0xF7A, s1;
	s8 =	simm.s32 @!p0 $0x1BF5;
	p2 =	por !p2, p0  }
0x20: {  	[sflag:s8] =	ssyncset.s32 @!p0 $0xFFFFF086;
	s6 =	sadd.s32 @!p0 s3, s7;
	s7 =	simm.s32 @!p0 $0x108  }
0x21: {  	s3 =	sadd.s32 s3, s9;
	s6 =	sadd.s32 @!p0 $0x88, s6;
	s7 =	simm.s32 @p2 $0x1082  }
0x22: {  	[simem:s7], [sflag:s8] =	dma.local @!p0 [hbm:s6], $0xF7A  }
0x23: {  	s9 =	sor.u32 $0xD0000000, s2;
	s6 =	simm.s32 $0x108;
	_ =	swait.ge @!p0 [sflag:s8], $0x0  }
0x24: {  	s3 =	sadd.s32 $0x88, s3;
	s6 =	simm.s32 @!p1 $0x1082;
	[sflag:s4] =	ssyncset.s32 $0xFFFFF086  }
0x25: {  	[simem:s6], [sflag:s4] =	dma.local [hbm:s3], $0xF7A  }
0x26: {  	[smem:$0x3F9C] =	sst s1;
	(tag) =	ssettag s2;
	_ =	strace s9  }
0x27: {  	s1 =	sld [smem:$0x3FAC]  }
0x28: {  	s2 =	sld [smem:$0x3FAD]  }
0x29: {  	s4 =	sld [smem:$0x3FAF]  }
0x2a: {  	p0 =	seq.s32 s5, $0x0;
	s5 =	sld [smem:$0x3FB0]  }
0x2b: {  	s6 =	sld [smem:$0x3FB1]  }
0x2c: {  	s7 =	sld [smem:$0x3FB2]  }
0x2d: {  	s3 =	simm.s32 $0x108;
	s8 =	sld [smem:$0x3FB3]  }
0x2e: {  	s3 =	simm.s32 @!p0 $0x1082;
	s9 =	sld [smem:$0x3FB4]  }
0x2f: {  	lr =	sadd.s32 s0, s3;
	s0 =	sld [smem:$0x3FAB]  }
0x30: {  	s3 =	sld [smem:$0x3FAE]  }
0x31: {  	[smem:$0x3FB7] =	sst s10  }
0x32: {  	s10 =	sld [smem:$0x3FB5];
	_ =	sdelay $0x3  }
0x33: {  	p0 =	seq.s32 s10, $0x1;
	s10 =	sld [smem:$0x3FB7];
	_ =	sdelay $0x3  }
0x34: {  	[smem:$0x3FB7] =	sst s10  }
0x35: {  	s10 =	sld [smem:$0x3FB6];
	_ =	sdelay $0x3  }
0x36: {  	p1 =	seq.s32 s10, $0x1;
	s10 =	sld [smem:$0x3FB7];
	_ =	sdelay $0x3  }
0x37: {  	[smem:$0x3FB7] =	sst s10  }
0x38: {  	s10 =	sld [smem:$0x3FB8]  }
0x39: {  	_ = 	snop;
	(pc) =	sbr.ind lr, $3  }
0x3a: {  	_ = 	snop  }
0x3b: {  	_ = 	snop  }
0x3c: {  	p2 =	seq.s32 s10, $0x1;
	s10 =	sld [smem:$0x3FB7]  }
0x3d: {  	_ =	shalt  }
0x3e: {  	_ =	shalt  }
0x3f: {  	_ =	shalt  }
0x40: {  	_ =	shalt  }
0x41: {  	_ =	shalt  }
0x42: {  	_ =	shalt  }
0x43: {  	_ =	shalt  }
0x44: {  	_ =	shalt  }
0x45: {  	_ =	shalt  }
0x46: {  	_ =	shalt  }
0x47: {  	_ =	shalt  }
0x48: {  	_ =	shalt  }
0x49: {  	_ =	shalt  }
0x4a: {  	_ =	shalt  }
0x4b: {  	_ =	shalt  }
0x4c: {  	_ =	shalt  }
0x4d: {  	_ =	shalt  }
0x4e: {  	_ =	shalt  }
0x4f: {  	_ =	shalt  }
0x50: {  	_ =	shalt  }
0x51: {  	_ =	shalt  }
0x52: {  	_ =	shalt  }
0x53: {  	_ =	shalt  }
0x54: {  	_ =	shalt  }
0x55: {  	_ =	shalt  }
0x56: {  	_ =	shalt  }
0x57: {  	_ =	shalt  }
0x58: {  	_ =	shalt  }
0x59: {  	_ =	shalt  }
0x5a: {  	_ =	shalt  }
0x5b: {  	_ =	shalt  }
0x5c: {  	_ =	shalt  }
0x5d: {  	_ =	shalt  }
0x5e: {  	_ =	shalt  }
0x5f: {  	_ =	shalt  }
0x60: {  	_ =	shalt  }
0x61: {  	_ =	shalt  }
0x62: {  	_ =	shalt  }
0x63: {  	_ =	shalt  }
0x64: {  	_ =	shalt  }
0x65: {  	_ =	shalt  }
0x66: {  	_ =	shalt  }
0x67: {  	_ =	shalt  }
0x68: {  	_ =	shalt  }
0x69: {  	_ =	shalt  }
0x6a: {  	_ =	shalt  }
0x6b: {  	_ =	shalt  }
0x6c: {  	_ =	shalt  }
0x6d: {  	_ =	shalt  }
0x6e: {  	_ =	shalt  }
0x6f: {  	_ =	shalt  }
0x70: {  	_ =	shalt  }
0x71: {  	_ =	shalt  }
0x72: {  	_ =	shalt  }
0x73: {  	_ =	shalt  }
0x74: {  	_ =	shalt  }
0x75: {  	_ =	shalt  }
0x76: {  	_ =	shalt  }
0x77: {  	_ =	shalt  }
0x78: {  	_ =	shalt  }
0x79: {  	_ =	shalt  }
0x7a: {  	_ =	shalt  }
0x7b: {  	_ =	shalt  }
0x7c: {  	_ =	shalt  }
0x7d: {  	_ =	shalt  }
0x7e: {  	_ =	shalt  }
0x7f: {  	_ =	shalt  }
0x80: {  	_ =	shalt  }
0x81: {  	_ =	shalt  }
0x82: {  	_ =	shalt  }
0x83: {  	_ =	shalt  }
0x84: {  	_ =	shalt  }
0x85: {  	_ =	shalt  }
0x86: {  	_ =	shalt  }
0x87: {  	_ =	shalt  }
.Lfunc_end0:
.L_simem_size_0:
called_computation_lowered:
.L_overlay_start_0:
0x88: {  	s2 =	sld [smem:$0x3FD9]  }
0x89: {  	s3 =	sld [smem:$0x3FFE];
	_ =	sdelay $0x1  }
0x8a: {  	s1 =	srdreg.scid  }
0x8b: {  	s0 =	sand.u32 $0x1, s1  }
0x8c: {  	s17 =	sshll.u32 s0, $0xA;
	s2 =	sadd.s32 s3, s2  }
0x8d: {  	s2 =	sadd.s32 s2, s17  }
0x8e: {  	[smem:$0x3FC3] =	sst s2  }
0x8f: {  	_ = 	snop  }
0x90: {  	s2 =	sld [smem:$0x3FC9]  }
0x91: {  	s18 =	sld [smem:$0x3FD0];
	(tm) =	ssettm $0x1  }
0x92: {  	s4 =	sld [smem:$0x3FFB];
	_ =	sdelay $0x3  }
0x93: {  	_ =	strace s4  }
0x94: {  	s4 =	sld [smem:$0x3FFC];
	_ =	sdelay $0x3  }
0x95: {  	_ =	strace s4  }
0x96: {  	s4 =	sld [smem:$0x3FFD];
	_ =	sdelay $0x3  }
0x97: {  	_ =	strace s4  }
0x98: {  	_ =	strace $0x8FFFFFFF  }
0x99: {  	s19 =	sld [smem:$0x3FDB];
	_ =	sdelay $0x1  }
0x9a: {  	s5 =	simm.s32 $_scs_section_size  }
0x9b: {  	s6 =	simm.s32 $_size__tile_overlayer_lowered;
	s7 =	simm.s32 $_tile_overlayer_lowered  }
0x9c: {  	s22 =	simm.s32 $0x1BFF;
	s21 =	sshll.u32 s7, $0x1;
	s4 =	sadd.s32 s5, s19  }
0x9d: {  	s8 =	simm.s32 $0x0;
	s20 =	sshll.u32 s6, $0x1;
	s6 =	sadd.s32 s21, s4  }
0x9e: {  	[timem:s8], [sflag:s22] =	dma.local [hbm:s6], s20  }
0x9f: {  	_ =	swait.ge [sflag:s22], s20  }
0xa0: {  	s5 =	ssub.s32 $0x0, s20;
	[sflag:s22] =	ssyncset.done $0x0  }
0xa1: {  	[sflag:s22] =	ssyncadd.s32 s5;
	_ =	sdelay $0x1  }
0xa2: {  	s23 =	simm.s32 $0x1B8B  }
0xa3: {  	_ =	swait.ge [sflag:s23], $0x1  }
0xa4: {  	[sflag:s23] =	ssyncset.done $0x0  }
0xa5: {  	s25 =	simm.s32 $0x1B8E;
	s24 =	sld [smem:$0x3FFE];
	[sflag:s23] =	ssyncadd.s32 $0xFFFFFFFF  }
0xa6: {  	s26 =	simm.s32 $execute0_lowered;
	[smem:$0x3FD2] =	sst s25  }
0xa7: {  	s6 =	sshll.u32 s26, $0x1;
	_ =	strace $0x80000046;
	[dreg:$0x1] =	wrdreg $0xFFFFFFFF  }
0xa8: {  	s28 =	simm.s32 $_size_execute0_lowered;
	s4 =	sadd.s32 s4, s6;
	[dreg:$0x0] =	wrdreg $0x0  }
0xa9: {  	s6 =	sshll.u32 s28, $0x1;
	[dreg:$0x2] =	wrdreg s4  }
0xaa: {  	[dreg:$0x3] =	wrdreg s6  }
0xab: {  	[dreg:$0x4] =	wrdreg $0xC0  }
0xac: {  	_ =	task [dreg:s8], $0x5FFFF  }
0xad: {  	[dreg:$0x1] =	wrdreg $0xFFFFFFFF  }
0xae: {  	[dreg:$0x0] =	wrdreg $0x60  }
0xaf: {  	[dreg:$0x2] =	wrdreg s2  }
0xb0: {  	[dreg:$0x3] =	wrdreg s18  }
0xb1: {  	[dreg:$0x4] =	wrdreg s24  }
0xb2: {  	[dreg:$0x5] =	wrdreg $0x9  }
0xb3: {  	_ =	task.clear_ibuf [dreg:s8], $0x6FFFF;
	_ =	strace $0x90000046  }
0xb4: {  	s29 =	simm.s32 $0x9;
	_ =	strace $0x80000048  }
0xb5: {  	_ =	swait.ge [sflag:s29], $0x1  }
0xb6: {  	[sflag:s29] =	ssyncadd.s32 $0xFFFFFFFF  }
0xb7: {  	_ =	strace $0x90000048  }
0xb8: {  	_ =	sfence  }
0xb9: {  	s30 =	sld [smem:$0x0];
	_ =	sdelay $0x2  }
0xba: {  	s31 =	sshll.u32 s1, $0xD;
	s1 =	sshrl.u32 s1, $0x2  }
0xbb: {  	s3 =	sand.u32 $0x4000, s31;
	s1 =	sadd.s32 s1, s30  }
0xbc: {  	s0 =	sor.u32 s3, s0;
	s1 =	sshll.u32 s1, $0x11  }
0xbd: {  	s0 =	sor.u32 s1, s0  }
0xbe: {  	s0 =	sadd.s32 $0x8F2B, s0  }
0xbf: {  	[sflag:s0] =	ssyncadd.remote.s32 $0x1  }
0xc0: {  	_ =	sfence.sel $0xFFFF  }
0xc1: {  	[dreg:$0x0] =	wrdreg $0xFFFFFFFF;
	(pc) =	sbr.abs _section_cstart, $3  }
0xc2: {  	[dreg:$0x1] =	wrdreg $0xFFFFFFFF  }
0xc3: {  	_ =	task.clear_ibuf [dreg:s8], $0x2FFFF;
	_ =	strace $0x9FFFFFFF  }
0xc4: {  	(tm) =	ssettm $0x7FFFFFFF  }
0xc5: {  	_ =	shalt  }
tec
execute0_lowered:
.L_overlay_start_1:
0x0: {  	(tag) =	ssettag $0x1  }
0x1: {  	s1 =	rddreg [dreg:$0x0]  }
0x2: {  	s0 =	srdreg.scid;
	s3 =	stileid.u32  }
0x3: {  	s2 =	rddreg [dreg:$0x1];
	s0 =	sand.u32 $0x1, s0;
	s3 =	sshll.u32 s3, $0x1  }
0x4: {  	s4 =	rddreg [dreg:$0x2];
	s5 =	sor.u32 s0, s3;
	s3 =	simm.s32 $0x0  }
0x5: {  	s26 =	simm.s32 $0xC900;
	[smem:$0x7FF] =	sst s3  }
0x6: {  	s8 =	simm.s32 $0xE900;
	_ =	strace $0x80000047;
	[dreg:$0x8] =	wrdreg s26  }
0x7: {  	s9 =	simm.s32 $0xF100;
	[dreg:$0xc] =	wrdreg s8  }
0x8: {  	s10 =	simm.s32 $0xF900;
	[dreg:$0xd] =	wrdreg s9  }
0x9: {  	s11 =	simm.s32 $0x10100;
	s12 =	simm.s32 $0x10900;
	[dreg:$0xe] =	wrdreg s10  }
0xa: {  	s13 =	simm.s32 $0x11100;
	s14 =	simm.s32 $0x11900;
	[dreg:$0xf] =	wrdreg s11  }
0xb: {  	s15 =	simm.s32 $0x12100;
	s16 =	simm.s32 $0x12900;
	[dreg:$0x10] =	wrdreg s12  }
0xc: {  	s17 =	simm.s32 $0x13100;
	s18 =	simm.s32 $0x13900;
	[dreg:$0x11] =	wrdreg s13  }
0xd: {  	s19 =	simm.s32 $0x14100;
	s20 =	simm.s32 $0x14900;
	[dreg:$0x12] =	wrdreg s14  }
0xe: {  	s28 =	simm.s32 $0x6900;
	s29 =	simm.s32 $0x7100;
	[dreg:$0x13] =	wrdreg s15  }
0xf: {  	s30 =	simm.s32 $0x7900;
	s31 =	simm.s32 $0x8100;
	[dreg:$0x14] =	wrdreg s16  }
0x10: {  	s4 =	sadd.s32 $0x1400, s4;
	s6 =	smul.u32 $0x12, s5;
	[dreg:$0x15] =	wrdreg s17  }
0x11: {  	s0 =	ssub.s32 $0x2, s0;
	s7 =	smul.u32 $0x24000, s5;
	[dreg:$0x16] =	wrdreg s18  }
0x12: {  	s5 =	smul.u32 $0x4800, s5;
	s25 =	sshrl.u32 s0, $0x1;
	[dreg:$0x17] =	wrdreg s19  }
0x13: {  	s0 =	ssub.s32 s0, s25;
	s8 =	simm.s32 $0x3;
	[dreg:$0x18] =	wrdreg s20  }
0x14: {  	s25 =	simm.s32 $0x17100;
	s26 =	simm.s32 $0x17900;
	s10 =	simm.s32 $0x1  }
0x15: {  	s15 =	simm.s32 $0x900;
	s16 =	simm.s32 $0x1100;
	s17 =	simm.s32 $0x1900  }
0x16: {  	s18 =	simm.s32 $0x2100;
	s19 =	simm.s32 $0x2900;
	s20 =	simm.s32 $0x3100  }
0x17: {  	s11 =	simm.s32 $0x9900;
	s12 =	simm.s32 $0xA100;
	[dreg:$0x1d] =	wrdreg s25  }
0x18: {  	s2 =	sadd.s32 s2, s6;
	s21 =	sshrl.u32 s7, $0x3;
	[dreg:$0x1e] =	wrdreg s26  }
0x19: {  	s22 =	sadd.s32 s4, s5;
	s5 =	simm.s32 $0xD100;
	[dreg:$0x4] =	wrdreg s2  }
0x1a: {  	s6 =	simm.s32 $0xD900;
	s7 =	simm.s32 $0xE100;
	[dreg:$0x5] =	wrdreg s22  }
0x1b: {  	s25 =	simm.s32 $0x5900;
	s26 =	simm.s32 $0x6100;
	[dreg:$0x9] =	wrdreg s5  }
0x1c: {  	s4 =	sadd.s32 s4, s21;
	s5 =	sadd.s32 $0x200, s1;
	[dreg:$0xa] =	wrdreg s6  }
0x1d: {  	s6 =	sadd.s32 $0x300, s1;
	[dreg:$0xb] =	wrdreg s7;
	s21 =	simm.s32 $0x15100  }
0x1e: {  	s7 =	smax.u32 s0, $0x1;
	s22 =	simm.s32 $0x15900;
	[dreg:$0x19] =	wrdreg s21  }
0x1f: {  	s0 =	simm.s32 $0x100;
	s23 =	sadd.s32 $0x1800, s4;
	[dreg:$0x1a] =	wrdreg s22  }
0x20: {  	s24 =	sadd.s32 $0x3000, s4;
	s4 =	sadd.s32 $0x100, s1;
	[dreg:$0x6] =	wrdreg s23  }
0x21: {  	v2 =	vlaneseq.u32;
	s21 =	simm.s32 $0x3900;
	[dreg:$0x7] =	wrdreg s24;
	s23 =	simm.s32 $0x16100  }
0x22: {  	vm0 =	vmmov $0xffff;
	v1 =	vshrl.u32 v2, $0x3;
	s22 =	simm.s32 $0x4100;
	s24 =	simm.s32 $0x16900;
	[dreg:$0x1b] =	wrdreg s23  }
0x23: {  	v0 =	vand.u32 $0x7, v2;
	v2 =	vor.u32 $0x8, v2;
	v1 =	vmul.u32 $0x8, v1;
	[dreg:$0x1c] =	wrdreg s24;
	s23 =	simm.s32 $0x4900;
	s24 =	simm.s32 $0x5100  }
.LBB2_1:
0x24: {  	s13 =	rddreg [dreg:$0x4]  }
0x25: {  	[tilespmem:s3], [sflag:$0x3] =	stream.linear.gather [hbm4b:s13+s3], $0x90, $0x38;
	[tilespmem:$0x18100] =	vst v63  }
0x26: {  	_ =	swait.ge [sflag:s8], $0x90  }
0x27: {  	[sflag:s8] =	ssyncset.done $0x0  }
0x28: {  	[sflag:s8] =	ssyncadd.s32 $0xFFFFFF70  }
0x29: {  	v3 =	vld [tilespmem:$0x0];
	_ =	sdelay $0x4  }
0x2a: {  	v4 =	vshll.u32 v3, $0x3  }
0x2b: {  	v3 =	vand.u32 $0x7, v3;
	v4 =	vand.u32 $0xFFFFFFC0, v4  }
0x2c: {  	v3 =	vor.u32 v3, v4  }
0x2d: {  	v4 =	vperm.xlane v3, v0;
	_ =	sdelay $0x1  }
0x2e: {  	v4 =	vadd.s32 v1, v4;
	_ =	sdelay $0x4  }
0x2f: {  	[tilespmem:s0], [sflag:$0x1] =	stream.indirect_vreg.gather [hbm4b:s1+s3], $0x80, v4, vm0, $0xb8;
	[tilespmem:$0x18100] =	vst v63  }
0x30: {  	v3 =	vperm.xlane v3, v2  }
0x31: {  	[tilespmem:s15], [sflag:$0x1] =	stream.indirect_vreg.gather [hbm4b:s4+s3], $0x80, v4, vm0, $0xb8;
	[tilespmem:$0x18100] =	vst v63  }
0x32: {  	v3 =	vadd.s32 v1, v3  }
0x33: {  	[tilespmem:s16], [sflag:$0x1] =	stream.indirect_vreg.gather [hbm4b:s5+s3], $0x80, v4, vm0, $0xb8;
	[tilespmem:$0x18100] =	vst v63  }
0x34: {  	_ = 	snop  }
0x35: {  	[tilespmem:s17], [sflag:$0x1] =	stream.indirect_vreg.gather [hbm4b:s6+s3], $0x80, v4, vm0, $0xb8;
	[tilespmem:$0x18100] =	vst v63  }
0x36: {  	_ = 	snop  }
0x37: {  	[tilespmem:s18], [sflag:$0x1] =	stream.indirect_vreg.gather [hbm4b:s1+s3], $0x80, v3, vm0, $0xb8;
	[tilespmem:$0x18100] =	vst v63  }
0x38: {  	_ = 	snop  }
0x39: {  	[tilespmem:s19], [sflag:$0x1] =	stream.indirect_vreg.gather [hbm4b:s4+s3], $0x80, v3, vm0, $0xb8;
	[tilespmem:$0x18100] =	vst v63  }
0x3a: {  	_ = 	snop  }
0x3b: {  	[tilespmem:s20], [sflag:$0x1] =	stream.indirect_vreg.gather [hbm4b:s5+s3], $0x80, v3, vm0, $0xb8;
	[tilespmem:$0x18100] =	vst v63  }
0x3c: {  	_ = 	snop  }
0x3d: {  	[tilespmem:s21], [sflag:$0x1] =	stream.indirect_vreg.gather [hbm4b:s6+s3], $0x80, v3, vm0, $0xb8;
	[tilespmem:$0x18100] =	vst v63  }
0x3e: {  	v3 =	vld [tilespmem:$0x10];
	_ =	sdelay $0x4  }
0x3f: {  	v56 =	vshll.u32 v3, $0x3  }
0x40: {  	v3 =	vand.u32 $0x7, v3;
	v4 =	vand.u32 $0xFFFFFFC0, v56  }
0x41: {  	v3 =	vor.u32 v3, v4  }
0x42: {  	v4 =	vperm.xlane v3, v0;
	_ =	sdelay $0x1  }
0x43: {  	v4 =	vadd.s32 v1, v4;
	_ =	sdelay $0x4  }
0x44: {  	[tilespmem:s22], [sflag:$0x1] =	stream.indirect_vreg.gather [hbm4b:s1+s3], $0x80, v4, vm0, $0xb8;
	[tilespmem:$0x18100] =	vst v63  }
0x45: {  	v3 =	vperm.xlane v3, v2  }
0x46: {  	[tilespmem:s23], [sflag:$0x1] =	stream.indirect_vreg.gather [hbm4b:s4+s3], $0x80, v4, vm0, $0xb8;
	[tilespmem:$0x18100] =	vst v63  }
0x47: {  	v3 =	vadd.s32 v1, v3  }
0x48: {  	[tilespmem:s24], [sflag:$0x1] =	stream.indirect_vreg.gather [hbm4b:s5+s3], $0x80, v4, vm0, $0xb8;
	[tilespmem:$0x18100] =	vst v63  }
0x49: {  	_ = 	snop  }
0x4a: {  	[tilespmem:s25], [sflag:$0x1] =	stream.indirect_vreg.gather [hbm4b:s6+s3], $0x80, v4, vm0, $0xb8;
	[tilespmem:$0x18100] =	vst v63  }
0x4b: {  	_ = 	snop  }
0x4c: {  	[tilespmem:s26], [sflag:$0x1] =	stream.indirect_vreg.gather [hbm4b:s1+s3], $0x80, v3, vm0, $0xb8;
	[tilespmem:$0x18100] =	vst v63  }
0x4d: {  	_ = 	snop  }
0x4e: {  	[tilespmem:s28], [sflag:$0x1] =	stream.indirect_vreg.gather [hbm4b:s4+s3], $0x80, v3, vm0, $0xb8;
	[tilespmem:$0x18100] =	vst v63  }
0x4f: {  	_ = 	snop  }
0x50: {  	[tilespmem:s29], [sflag:$0x1] =	stream.indirect_vreg.gather [hbm4b:s5+s3], $0x80, v3, vm0, $0xb8;
	[tilespmem:$0x18100] =	vst v63  }
0x51: {  	_ = 	snop  }
0x52: {  	[tilespmem:s30], [sflag:$0x1] =	stream.indirect_vreg.gather [hbm4b:s6+s3], $0x80, v3, vm0, $0xb8;
	[tilespmem:$0x18100] =	vst v63  }
0x53: {  	v3 =	vld [tilespmem:$0x20];
	_ =	sdelay $0x4  }
0x54: {  	v57 =	vshll.u32 v3, $0x3  }
0x55: {  	v3 =	vand.u32 $0x7, v3;
	v4 =	vand.u32 $0xFFFFFFC0, v57  }
0x56: {  	v3 =	vor.u32 v3, v4  }
0x57: {  	v4 =	vperm.xlane v3, v0;
	_ =	sdelay $0x1  }
0x58: {  	v4 =	vadd.s32 v1, v4;
	_ =	sdelay $0x4  }
0x59: {  	[tilespmem:s31], [sflag:$0x1] =	stream.indirect_vreg.gather [hbm4b:s1+s3], $0x80, v4, vm0, $0xb8;
	[tilespmem:$0x18100] =	vst v63  }
0x5a: {  	s2 =	simm.s32 $0x8900;
	v3 =	vperm.xlane v3, v2  }
0x5b: {  	[tilespmem:s2], [sflag:$0x1] =	stream.indirect_vreg.gather [hbm4b:s4+s3], $0x80, v4, vm0, $0xb8;
	[tilespmem:$0x18100] =	vst v63  }
0x5c: {  	s13 =	simm.s32 $0x9100;
	v3 =	vadd.s32 v1, v3  }
0x5d: {  	[tilespmem:s13], [sflag:$0x1] =	stream.indirect_vreg.gather [hbm4b:s5+s3], $0x80, v4, vm0, $0xb8;
	[tilespmem:$0x18100] =	vst v63  }
0x5e: {  	_ = 	snop  }
0x5f: {  	[tilespmem:s11], [sflag:$0x1] =	stream.indirect_vreg.gather [hbm4b:s6+s3], $0x80, v4, vm0, $0xb8;
	[tilespmem:$0x18100] =	vst v63  }
0x60: {  	_ = 	snop  }
0x61: {  	[tilespmem:s12], [sflag:$0x1] =	stream.indirect_vreg.gather [hbm4b:s1+s3], $0x80, v3, vm0, $0xb8;
	[tilespmem:$0x18100] =	vst v63  }
0x62: {  	s9 =	simm.s32 $0xA900  }
0x63: {  	[tilespmem:s9], [sflag:$0x1] =	stream.indirect_vreg.gather [hbm4b:s4+s3], $0x80, v3, vm0, $0xb8;
	[tilespmem:$0x18100] =	vst v63  }
0x64: {  	s14 =	simm.s32 $0xB100  }
0x65: {  	[tilespmem:s14], [sflag:$0x1] =	stream.indirect_vreg.gather [hbm4b:s5+s3], $0x80, v3, vm0, $0xb8;
	[tilespmem:$0x18100] =	vst v63  }
0x66: {  	s13 =	simm.s32 $0xB900  }
0x67: {  	[tilespmem:s13], [sflag:$0x1] =	stream.indirect_vreg.gather [hbm4b:s6+s3], $0x80, v3, vm0, $0xb8;
	[tilespmem:$0x18100] =	vst v63  }
0x68: {  	_ =	swait.ge [sflag:s10], $0xC000  }
0x69: {  	[sflag:s10] =	ssyncset.done $0x0  }
0x6a: {  	[sflag:s10] =	ssyncadd.s32 $0xFFFF4000  }
0x6b: {  	v3 =	vld [tilespmem:$0x30];
	_ =	sdelay $0x4  }
0x6c: {  	v58 =	vshll.u32 v3, $0x3  }
0x6d: {  	v3 =	vand.u32 $0x7, v3;
	v4 =	vand.u32 $0xFFFFFFC0, v58  }
0x6e: {  	v3 =	vor.u32 v3, v4  }
0x6f: {  	v4 =	vperm.xlane v3, v0;
	_ =	sdelay $0x1  }
0x70: {  	v4 =	vadd.s32 v1, v4;
	_ =	sdelay $0x3  }
0x71: {  	s2 =	simm.s32 $0xC100  }
0x72: {  	[tilespmem:s2], [sflag:$0x2] =	stream.indirect_vreg.gather [hbm4b:s1+s3], $0x80, v4, vm0, $0xb8;
	[tilespmem:$0x18100] =	vst v63  }
0x73: {  	s13 =	rddreg [dreg:$0x8];
	v3 =	vperm.xlane v3, v2  }
0x74: {  	[tilespmem:s13], [sflag:$0x2] =	stream.indirect_vreg.gather [hbm4b:s4+s3], $0x80, v4, vm0, $0xb8;
	[tilespmem:$0x18100] =	vst v63  }
0x75: {  	s14 =	rddreg [dreg:$0x9];
	v3 =	vadd.s32 v1, v3  }
0x76: {  	[tilespmem:s14], [sflag:$0x2] =	stream.indirect_vreg.gather [hbm4b:s5+s3], $0x80, v4, vm0, $0xb8;
	[tilespmem:$0x18100] =	vst v63  }
0x77: {  	s13 =	rddreg [dreg:$0xa]  }
0x78: {  	[tilespmem:s13], [sflag:$0x2] =	stream.indirect_vreg.gather [hbm4b:s6+s3], $0x80, v4, vm0, $0xb8;
	[tilespmem:$0x18100] =	vst v63  }
0x79: {  	s14 =	rddreg [dreg:$0xb]  }
0x7a: {  	[tilespmem:s14], [sflag:$0x2] =	stream.indirect_vreg.gather [hbm4b:s1+s3], $0x80, v3, vm0, $0xb8;
	[tilespmem:$0x18100] =	vst v63  }
0x7b: {  	s13 =	rddreg [dreg:$0xc]  }
0x7c: {  	[tilespmem:s13], [sflag:$0x2] =	stream.indirect_vreg.gather [hbm4b:s4+s3], $0x80, v3, vm0, $0xb8;
	[tilespmem:$0x18100] =	vst v63  }
0x7d: {  	s14 =	rddreg [dreg:$0xd]  }
0x7e: {  	[tilespmem:s14], [sflag:$0x2] =	stream.indirect_vreg.gather [hbm4b:s5+s3], $0x80, v3, vm0, $0xb8;
	[tilespmem:$0x18100] =	vst v63  }
0x7f: {  	s13 =	rddreg [dreg:$0xe]  }
0x80: {  	[tilespmem:s13], [sflag:$0x2] =	stream.indirect_vreg.gather [hbm4b:s6+s3], $0x80, v3, vm0, $0xb8;
	[tilespmem:$0x18100] =	vst v63  }
0x81: {  	v3 =	vld [tilespmem:$0x40];
	_ =	sdelay $0x4  }
0x82: {  	v59 =	vshll.u32 v3, $0x3  }
0x83: {  	v3 =	vand.u32 $0x7, v3;
	v4 =	vand.u32 $0xFFFFFFC0, v59  }
0x84: {  	v3 =	vor.u32 v3, v4  }
0x85: {  	v4 =	vperm.xlane v3, v0;
	_ =	sdelay $0x1  }
0x86: {  	v4 =	vadd.s32 v1, v4;
	_ =	sdelay $0x3  }
0x87: {  	s13 =	rddreg [dreg:$0xf]  }
0x88: {  	[tilespmem:s13], [sflag:$0x2] =	stream.indirect_vreg.gather [hbm4b:s1+s3], $0x80, v4, vm0, $0xb8;
	[tilespmem:$0x18100] =	vst v63  }
0x89: {  	s14 =	rddreg [dreg:$0x10];
	v3 =	vperm.xlane v3, v2  }
0x8a: {  	[tilespmem:s14], [sflag:$0x2] =	stream.indirect_vreg.gather [hbm4b:s4+s3], $0x80, v4, vm0, $0xb8;
	[tilespmem:$0x18100] =	vst v63  }
0x8b: {  	v3 =	vadd.s32 v1, v3;
	s13 =	rddreg [dreg:$0x11]  }
0x8c: {  	[tilespmem:s13], [sflag:$0x2] =	stream.indirect_vreg.gather [hbm4b:s5+s3], $0x80, v4, vm0, $0xb8;
	[tilespmem:$0x18100] =	vst v63  }
0x8d: {  	s14 =	rddreg [dreg:$0x12]  }
0x8e: {  	[tilespmem:s14], [sflag:$0x2] =	stream.indirect_vreg.gather [hbm4b:s6+s3], $0x80, v4, vm0, $0xb8;
	[tilespmem:$0x18100] =	vst v63  }
0x8f: {  	s13 =	rddreg [dreg:$0x13]  }
0x90: {  	[tilespmem:s13], [sflag:$0x2] =	stream.indirect_vreg.gather [hbm4b:s1+s3], $0x80, v3, vm0, $0xb8;
	[tilespmem:$0x18100] =	vst v63  }
0x91: {  	s14 =	rddreg [dreg:$0x14]  }
0x92: {  	[tilespmem:s14], [sflag:$0x2] =	stream.indirect_vreg.gather [hbm4b:s4+s3], $0x80, v3, vm0, $0xb8;
	[tilespmem:$0x18100] =	vst v63  }
0x93: {  	s13 =	rddreg [dreg:$0x15]  }
0x94: {  	[tilespmem:s13], [sflag:$0x2] =	stream.indirect_vreg.gather [hbm4b:s5+s3], $0x80, v3, vm0, $0xb8;
	[tilespmem:$0x18100] =	vst v63  }
0x95: {  	s14 =	rddreg [dreg:$0x16]  }
0x96: {  	[tilespmem:s14], [sflag:$0x2] =	stream.indirect_vreg.gather [hbm4b:s6+s3], $0x80, v3, vm0, $0xb8;
	[tilespmem:$0x18100] =	vst v63  }
0x97: {  	v3 =	vld [tilespmem:$0x50];
	_ =	sdelay $0x4  }
0x98: {  	v60 =	vshll.u32 v3, $0x3  }
0x99: {  	v3 =	vand.u32 $0x7, v3;
	v4 =	vand.u32 $0xFFFFFFC0, v60  }
0x9a: {  	v3 =	vor.u32 v3, v4  }
0x9b: {  	v4 =	vperm.xlane v3, v0;
	_ =	sdelay $0x1  }
0x9c: {  	v4 =	vadd.s32 v1, v4;
	_ =	sdelay $0x3  }
0x9d: {  	s13 =	rddreg [dreg:$0x17]  }
0x9e: {  	[tilespmem:s13], [sflag:$0x2] =	stream.indirect_vreg.gather [hbm4b:s1+s3], $0x80, v4, vm0, $0xb8;
	[tilespmem:$0x18100] =	vst v63  }
0x9f: {  	s14 =	rddreg [dreg:$0x18];
	v3 =	vperm.xlane v3, v2  }
0xa0: {  	[tilespmem:s14], [sflag:$0x2] =	stream.indirect_vreg.gather [hbm4b:s4+s3], $0x80, v4, vm0, $0xb8;
	[tilespmem:$0x18100] =	vst v63  }
0xa1: {  	v3 =	vadd.s32 v1, v3;
	s13 =	rddreg [dreg:$0x19]  }
0xa2: {  	[tilespmem:s13], [sflag:$0x2] =	stream.indirect_vreg.gather [hbm4b:s5+s3], $0x80, v4, vm0, $0xb8;
	[tilespmem:$0x18100] =	vst v63  }
0xa3: {  	s14 =	rddreg [dreg:$0x1a]  }
0xa4: {  	[tilespmem:s14], [sflag:$0x2] =	stream.indirect_vreg.gather [hbm4b:s6+s3], $0x80, v4, vm0, $0xb8;
	[tilespmem:$0x18100] =	vst v63  }
0xa5: {  	s13 =	rddreg [dreg:$0x1b]  }
0xa6: {  	[tilespmem:s13], [sflag:$0x2] =	stream.indirect_vreg.gather [hbm4b:s1+s3], $0x80, v3, vm0, $0xb8;
	[tilespmem:$0x18100] =	vst v63  }
0xa7: {  	s14 =	rddreg [dreg:$0x1c]  }
0xa8: {  	[tilespmem:s14], [sflag:$0x2] =	stream.indirect_vreg.gather [hbm4b:s4+s3], $0x80, v3, vm0, $0xb8;
	[tilespmem:$0x18100] =	vst v63  }
0xa9: {  	s13 =	rddreg [dreg:$0x1d]  }
0xaa: {  	[tilespmem:s13], [sflag:$0x2] =	stream.indirect_vreg.gather [hbm4b:s5+s3], $0x80, v3, vm0, $0xb8;
	[tilespmem:$0x18100] =	vst v63  }
0xab: {  	s14 =	rddreg [dreg:$0x1e]  }
0xac: {  	[tilespmem:s14], [sflag:$0x2] =	stream.indirect_vreg.gather [hbm4b:s6+s3], $0x80, v3, vm0, $0xb8;
	[tilespmem:$0x18100] =	vst v63  }
0xad: {  	s13 =	rddreg [dreg:$0x5]  }
0xae: {  	[hbm4b:s13+s3] =	stream.linear.scatter [tilespmem:s0], [sflag:$0x3], $0xC000, $0x38;
	[tilespmem:$0x18100] =	vst v63  }
0xaf: {  	_ =	swait.ge [sflag:s8], $0xC000  }
0xb0: {  	[sflag:s8] =	ssyncset.done $0x0  }
0xb1: {  	s14 =	simm.s32 $0x2;
	[sflag:s8] =	ssyncadd.s32 $0xFFFF4000  }
0xb2: {  	_ =	swait.ge [sflag:s14], $0xC000  }
0xb3: {  	[sflag:s14] =	ssyncset.done $0x0  }
0xb4: {  	[sflag:s14] =	ssyncadd.s32 $0xFFFF4000  }
0xb5: {  	v3 =	vld [tilespmem:$0x60];
	_ =	sdelay $0x4  }
0xb6: {  	v61 =	vshll.u32 v3, $0x3  }
0xb7: {  	v3 =	vand.u32 $0x7, v3;
	v4 =	vand.u32 $0xFFFFFFC0, v61  }
0xb8: {  	v3 =	vor.u32 v3, v4  }
0xb9: {  	v4 =	vperm.xlane v3, v0;
	_ =	sdelay $0x1  }
0xba: {  	v4 =	vadd.s32 v1, v4;
	_ =	sdelay $0x4  }
0xbb: {  	[tilespmem:s0], [sflag:$0x1] =	stream.indirect_vreg.gather [hbm4b:s1+s3], $0x80, v4, vm0, $0xb8;
	[tilespmem:$0x18100] =	vst v63  }
0xbc: {  	v3 =	vperm.xlane v3, v2  }
0xbd: {  	[tilespmem:s15], [sflag:$0x1] =	stream.indirect_vreg.gather [hbm4b:s4+s3], $0x80, v4, vm0, $0xb8;
	[tilespmem:$0x18100] =	vst v63  }
0xbe: {  	v3 =	vadd.s32 v1, v3  }
0xbf: {  	[tilespmem:s16], [sflag:$0x1] =	stream.indirect_vreg.gather [hbm4b:s5+s3], $0x80, v4, vm0, $0xb8;
	[tilespmem:$0x18100] =	vst v63  }
0xc0: {  	_ = 	snop  }
0xc1: {  	[tilespmem:s17], [sflag:$0x1] =	stream.indirect_vreg.gather [hbm4b:s6+s3], $0x80, v4, vm0, $0xb8;
	[tilespmem:$0x18100] =	vst v63  }
0xc2: {  	_ = 	snop  }
0xc3: {  	[tilespmem:s18], [sflag:$0x1] =	stream.indirect_vreg.gather [hbm4b:s1+s3], $0x80, v3, vm0, $0xb8;
	[tilespmem:$0x18100] =	vst v63  }
0xc4: {  	_ = 	snop  }
0xc5: {  	[tilespmem:s19], [sflag:$0x1] =	stream.indirect_vreg.gather [hbm4b:s4+s3], $0x80, v3, vm0, $0xb8;
	[tilespmem:$0x18100] =	vst v63  }
0xc6: {  	_ = 	snop  }
0xc7: {  	[tilespmem:s20], [sflag:$0x1] =	stream.indirect_vreg.gather [hbm4b:s5+s3], $0x80, v3, vm0, $0xb8;
	[tilespmem:$0x18100] =	vst v63  }
0xc8: {  	_ = 	snop  }
0xc9: {  	[tilespmem:s21], [sflag:$0x1] =	stream.indirect_vreg.gather [hbm4b:s6+s3], $0x80, v3, vm0, $0xb8;
	[tilespmem:$0x18100] =	vst v63  }
0xca: {  	v3 =	vld [tilespmem:$0x70];
	_ =	sdelay $0x4  }
0xcb: {  	v62 =	vshll.u32 v3, $0x3  }
0xcc: {  	v3 =	vand.u32 $0x7, v3;
	v4 =	vand.u32 $0xFFFFFFC0, v62  }
0xcd: {  	v3 =	vor.u32 v3, v4  }
0xce: {  	v4 =	vperm.xlane v3, v0;
	_ =	sdelay $0x1  }
0xcf: {  	v4 =	vadd.s32 v1, v4;
	_ =	sdelay $0x4  }
0xd0: {  	[tilespmem:s22], [sflag:$0x1] =	stream.indirect_vreg.gather [hbm4b:s1+s3], $0x80, v4, vm0, $0xb8;
	[tilespmem:$0x18100] =	vst v63  }
0xd1: {  	v3 =	vperm.xlane v3, v2  }
0xd2: {  	[tilespmem:s23], [sflag:$0x1] =	stream.indirect_vreg.gather [hbm4b:s4+s3], $0x80, v4, vm0, $0xb8;
	[tilespmem:$0x18100] =	vst v63  }
0xd3: {  	v3 =	vadd.s32 v1, v3  }
0xd4: {  	[tilespmem:s24], [sflag:$0x1] =	stream.indirect_vreg.gather [hbm4b:s5+s3], $0x80, v4, vm0, $0xb8;
	[tilespmem:$0x18100] =	vst v63  }
0xd5: {  	_ = 	snop  }
0xd6: {  	[tilespmem:s25], [sflag:$0x1] =	stream.indirect_vreg.gather [hbm4b:s6+s3], $0x80, v4, vm0, $0xb8;
	[tilespmem:$0x18100] =	vst v63  }
0xd7: {  	_ = 	snop  }
0xd8: {  	[tilespmem:s26], [sflag:$0x1] =	stream.indirect_vreg.gather [hbm4b:s1+s3], $0x80, v3, vm0, $0xb8;
	[tilespmem:$0x18100] =	vst v63  }
0xd9: {  	_ = 	snop  }
0xda: {  	[tilespmem:s28], [sflag:$0x1] =	stream.indirect_vreg.gather [hbm4b:s4+s3], $0x80, v3, vm0, $0xb8;
	[tilespmem:$0x18100] =	vst v63  }
0xdb: {  	_ = 	snop  }
0xdc: {  	[tilespmem:s29], [sflag:$0x1] =	stream.indirect_vreg.gather [hbm4b:s5+s3], $0x80, v3, vm0, $0xb8;
	[tilespmem:$0x18100] =	vst v63  }
0xdd: {  	_ = 	snop  }
0xde: {  	[tilespmem:s30], [sflag:$0x1] =	stream.indirect_vreg.gather [hbm4b:s6+s3], $0x80, v3, vm0, $0xb8;
	[tilespmem:$0x18100] =	vst v63  }
0xdf: {  	v3 =	vld [tilespmem:$0x80];
	_ =	sdelay $0x4  }
0xe0: {  	v63 =	vshll.u32 v3, $0x3  }
0xe1: {  	v3 =	vand.u32 $0x7, v3;
	v4 =	vand.u32 $0xFFFFFFC0, v63  }
0xe2: {  	v3 =	vor.u32 v3, v4  }
0xe3: {  	v4 =	vperm.xlane v3, v0;
	_ =	sdelay $0x1  }
0xe4: {  	v4 =	vadd.s32 v1, v4;
	_ =	sdelay $0x4  }
0xe5: {  	[tilespmem:s31], [sflag:$0x1] =	stream.indirect_vreg.gather [hbm4b:s1+s3], $0x80, v4, vm0, $0xb8;
	[tilespmem:$0x18100] =	vst v63  }
0xe6: {  	s14 =	simm.s32 $0x8900;
	v3 =	vperm.xlane v3, v2  }
0xe7: {  	[tilespmem:s14], [sflag:$0x1] =	stream.indirect_vreg.gather [hbm4b:s4+s3], $0x80, v4, vm0, $0xb8;
	[tilespmem:$0x18100] =	vst v63  }
0xe8: {  	v3 =	vadd.s32 v1, v3;
	s14 =	simm.s32 $0x9100  }
0xe9: {  	[tilespmem:s14], [sflag:$0x1] =	stream.indirect_vreg.gather [hbm4b:s5+s3], $0x80, v4, vm0, $0xb8;
	[tilespmem:$0x18100] =	vst v63  }
0xea: {  	_ = 	snop  }
0xeb: {  	[tilespmem:s11], [sflag:$0x1] =	stream.indirect_vreg.gather [hbm4b:s6+s3], $0x80, v4, vm0, $0xb8;
	[tilespmem:$0x18100] =	vst v63  }
0xec: {  	_ = 	snop  }
0xed: {  	[tilespmem:s12], [sflag:$0x1] =	stream.indirect_vreg.gather [hbm4b:s1+s3], $0x80, v3, vm0, $0xb8;
	[tilespmem:$0x18100] =	vst v63  }
0xee: {  	_ = 	snop  }
0xef: {  	[tilespmem:s9], [sflag:$0x1] =	stream.indirect_vreg.gather [hbm4b:s4+s3], $0x80, v3, vm0, $0xb8;
	[tilespmem:$0x18100] =	vst v63  }
0xf0: {  	s13 =	simm.s32 $0xB100  }
0xf1: {  	[tilespmem:s13], [sflag:$0x1] =	stream.indirect_vreg.gather [hbm4b:s5+s3], $0x80, v3, vm0, $0xb8;
	[tilespmem:$0x18100] =	vst v63  }
0xf2: {  	s14 =	simm.s32 $0xB900  }
0xf3: {  	[tilespmem:s14], [sflag:$0x1] =	stream.indirect_vreg.gather [hbm4b:s6+s3], $0x80, v3, vm0, $0xb8;
	[tilespmem:$0x18100] =	vst v63  }
0xf4: {  	s13 =	rddreg [dreg:$0x6]  }
0xf5: {  	[hbm4b:s13+s3] =	stream.linear.scatter [tilespmem:s2], [sflag:$0x3], $0xC000, $0x38;
	[tilespmem:$0x18100] =	vst v63  }
0xf6: {  	_ =	swait.ge [sflag:s8], $0xC000  }
0xf7: {  	[sflag:s8] =	ssyncset.done $0x0  }
0xf8: {  	[sflag:s8] =	ssyncadd.s32 $0xFFFF4000  }
0xf9: {  	_ =	swait.ge [sflag:s10], $0xC000  }
0xfa: {  	p0 =	sne.s32 s7, $0x1;
	[sflag:s10] =	ssyncset.done $0x0  }
.Ltmp0:
0xfb: {  	s14 =	rddreg [dreg:$0x7];
	[sflag:s10] =	ssyncadd.s32 $0xFFFF4000;
	(pc) =	sbr.rel @p0 .LBB2_1-.Ltmp0, $4  }
0xfc: {  	[hbm4b:s14+s3] =	stream.linear.scatter [tilespmem:s0], [sflag:$0x3], $0xC000, $0x38;
	[tilespmem:$0x18100] =	vst v63  }
0xfd: {  	_ =	swait.ge [sflag:s8], $0xC000  }
0xfe: {  	[sflag:s8] =	ssyncset.done $0x0  }
0xff: {  	s7 =	sadd.s32 $0xFFFFFFFF, s7;
	[sflag:s8] =	ssyncadd.s32 $0xFFFF4000  }
0x100: {  	_ =	sfence.sel $0x180000  }
0x101: {  	[bflag:$0x0] =	sbarrier.arrive $0xFFFF  }
0x102: {  	_ =	strace $0x90000047  }
0x103: {  	s0 =	stileid.u32;
	[bflag:$0x2] =	sbarrier.arrive $0xFFFF  }
0x104: {  	p0 =	sne.s32 s0, $0x0;
	s0 =	rddreg [dreg:$0x3]  }
0x105: {  	s0 =	sadd.s32 @!p0 $0x100000, s0  }
0x106: {  	[sflag:s0] =	ssyncadd.tile.s32 @!p0 $0x1;
	_ =	shalt  }
.Lfunc_end2:
_tile_overlayer_lowered:
.L_overlay_start_2:
0x107: {  	(tag) =	ssettag $0x2  }
0x108: {  	s0 =	rddreg [dreg:$0x0];
	s2 =	stileid.u32  }
0x109: {  	s1 =	rddreg [dreg:$0x1];
	p0 =	sne.s32 s2, $0x0  }
0x10a: {  	s3 =	rddreg [dreg:$0x2];
	[bflag:$0x3] =	sbarrier.arrive $0xFFFF;
	s2 =	simm.s32 @!p0 $0x1C03  }
0x10b: {  	[timem:s3], [sflag:s2] =	dma.local @!p0 [hbm:s0], s1  }
0x10c: {  	s0 =	simm.s32 @!p0 $0x3  }
0x10d: {  	_ =	swait.ge @!p0 [sflag:s0], s1  }
0x10e: {  	s1 =	ssub.s32 @!p0 $0x0, s1;
	[sflag:s0] =	ssyncset.done @!p0 $0x0  }
0x10f: {  	[sflag:s0] =	ssyncadd.s32 @!p0 s1  }
0x110: {  	[bflag:$0x3] =	sbarrier.arrive $0xFFFF  }
0x111: {  	_ =	shalt  }

// kernel: kernel.8.cloned.1.call-start
scs
__scs_entry_jumppad:
0x0: {  	(pc) =	sbr.rel $0x88, $3  }
0x1: {  	(tag) =	ssettag $0x0;
	lr =	simm.s32 $0x1  }
0x2: {  	[smem:$0x3F9C] =	sst lr;
	_ =	strace $0xD0000000  }
0x3: {  	_ = 	snop  }
0x4: {  	_ = 	snop  }
0x5: {  	_ = 	snop  }
0x6: {  	_ = 	snop  }
0x7: {  	_ = 	snop  }
__scs_overlays_trampoline_lowered:
0x8: {  	[smem:$0x3FAB] =	sst s0  }
0x9: {  	[smem:$0x3FAC] =	sst s1  }
0xa: {  	[smem:$0x3FAD] =	sst s2  }
0xb: {  	[smem:$0x3FAE] =	sst s3  }
0xc: {  	[smem:$0x3FAF] =	sst s4  }
0xd: {  	[smem:$0x3FB0] =	sst s5  }
0xe: {  	[smem:$0x3FB1] =	sst s6  }
0xf: {  	[smem:$0x3FB2] =	sst s7  }
0x10: {  	[smem:$0x3FB3] =	sst s8  }
0x11: {  	[smem:$0x3FB4] =	sst s9;
	s0 =	simm.s32 @!p0 $0x0  }
0x12: {  	s1 =	sld [smem:$0x3F9A];
	s0 =	simm.s32 @p0 $0x1  }
0x13: {  	[smem:$0x3FB5] =	sst s0;
	s0 =	simm.s32 @!p1 $0x0  }
0x14: {  	s2 =	sld [smem:$0x3F99];
	s0 =	simm.s32 @p1 $0x1  }
0x15: {  	[smem:$0x3FB6] =	sst s0;
	s0 =	simm.s32 @!p2 $0x0  }
0x16: {  	s3 =	sld [smem:$0x3FDB];
	s0 =	simm.s32 @p2 $0x1  }
0x17: {  	s4 =	simm.s32 $0x1BF5;
	[smem:$0x3FB8] =	sst s0  }
0x18: {  	s0 =	sld [smem:$0x3F9B];
	_ =	swait.ge [sflag:s4], $0x0  }
0x19: {  	s7 =	sld [smem:$0x3F9C]  }
0x1a: {  	s8 =	sadd.s32 $0xFFFFE003, lr  }
0x1b: {  	s9 =	sadd.s32 $0xFFFFFEF7, lr;
	s5 =	simm.s32 $0xFFFFFFFF;
	p2 =	slt.u32 s8, $0xFFFFF086  }
0x1c: {  	p1 =	slt.u32 s9, $0xF7A;
	s5 =	simm.s32 @!p2 $0x0  }
0x1d: {  	s5 =	simm.s32 @p1 $0x1;
	p0 =	seq.s32 s7, s2  }
0x1e: {  	s7 =	smul.u32 @!p0 $0xF7A, s2;
	p2 =	seq.s32 @!p0 s5, $0x0  }
0x1f: {  	s9 =	smul.u32 $0xF7A, s1;
	s8 =	simm.s32 @!p0 $0x1BF5;
	p2 =	por !p2, p0  }
0x20: {  	[sflag:s8] =	ssyncset.s32 @!p0 $0xFFFFF086;
	s6 =	sadd.s32 @!p0 s3, s7;
	s7 =	simm.s32 @!p0 $0x108  }
0x21: {  	s3 =	sadd.s32 s3, s9;
	s6 =	sadd.s32 @!p0 $0x88, s6;
	s7 =	simm.s32 @p2 $0x1082  }
0x22: {  	[simem:s7], [sflag:s8] =	dma.local @!p0 [hbm:s6], $0xF7A  }
0x23: {  	s9 =	sor.u32 $0xD0000000, s2;
	s6 =	simm.s32 $0x108;
	_ =	swait.ge @!p0 [sflag:s8], $0x0  }
0x24: {  	s3 =	sadd.s32 $0x88, s3;
	s6 =	simm.s32 @!p1 $0x1082;
	[sflag:s4] =	ssyncset.s32 $0xFFFFF086  }
0x25: {  	[simem:s6], [sflag:s4] =	dma.local [hbm:s3], $0xF7A  }
0x26: {  	[smem:$0x3F9C] =	sst s1;
	(tag) =	ssettag s2;
	_ =	strace s9  }
0x27: {  	s1 =	sld [smem:$0x3FAC]  }
0x28: {  	s2 =	sld [smem:$0x3FAD]  }
0x29: {  	s4 =	sld [smem:$0x3FAF]  }
0x2a: {  	p0 =	seq.s32 s5, $0x0;
	s5 =	sld [smem:$0x3FB0]  }
0x2b: {  	s6 =	sld [smem:$0x3FB1]  }
0x2c: {  	s7 =	sld [smem:$0x3FB2]  }
0x2d: {  	s3 =	simm.s32 $0x108;
	s8 =	sld [smem:$0x3FB3]  }
0x2e: {  	s3 =	simm.s32 @!p0 $0x1082;
	s9 =	sld [smem:$0x3FB4]  }
0x2f: {  	lr =	sadd.s32 s0, s3;
	s0 =	sld [smem:$0x3FAB]  }
0x30: {  	s3 =	sld [smem:$0x3FAE]  }
0x31: {  	[smem:$0x3FB7] =	sst s10  }
0x32: {  	s10 =	sld [smem:$0x3FB5];
	_ =	sdelay $0x3  }
0x33: {  	p0 =	seq.s32 s10, $0x1;
	s10 =	sld [smem:$0x3FB7];
	_ =	sdelay $0x3  }
0x34: {  	[smem:$0x3FB7] =	sst s10  }
0x35: {  	s10 =	sld [smem:$0x3FB6];
	_ =	sdelay $0x3  }
0x36: {  	p1 =	seq.s32 s10, $0x1;
	s10 =	sld [smem:$0x3FB7];
	_ =	sdelay $0x3  }
0x37: {  	[smem:$0x3FB7] =	sst s10  }
0x38: {  	s10 =	sld [smem:$0x3FB8]  }
0x39: {  	_ = 	snop;
	(pc) =	sbr.ind lr, $3  }
0x3a: {  	_ = 	snop  }
0x3b: {  	_ = 	snop  }
0x3c: {  	p2 =	seq.s32 s10, $0x1;
	s10 =	sld [smem:$0x3FB7]  }
0x3d: {  	_ =	shalt  }
0x3e: {  	_ =	shalt  }
0x3f: {  	_ =	shalt  }
0x40: {  	_ =	shalt  }
0x41: {  	_ =	shalt  }
0x42: {  	_ =	shalt  }
0x43: {  	_ =	shalt  }
0x44: {  	_ =	shalt  }
0x45: {  	_ =	shalt  }
0x46: {  	_ =	shalt  }
0x47: {  	_ =	shalt  }
0x48: {  	_ =	shalt  }
0x49: {  	_ =	shalt  }
0x4a: {  	_ =	shalt  }
0x4b: {  	_ =	shalt  }
0x4c: {  	_ =	shalt  }
0x4d: {  	_ =	shalt  }
0x4e: {  	_ =	shalt  }
0x4f: {  	_ =	shalt  }
0x50: {  	_ =	shalt  }
0x51: {  	_ =	shalt  }
0x52: {  	_ =	shalt  }
0x53: {  	_ =	shalt  }
0x54: {  	_ =	shalt  }
0x55: {  	_ =	shalt  }
0x56: {  	_ =	shalt  }
0x57: {  	_ =	shalt  }
0x58: {  	_ =	shalt  }
0x59: {  	_ =	shalt  }
0x5a: {  	_ =	shalt  }
0x5b: {  	_ =	shalt  }
0x5c: {  	_ =	shalt  }
0x5d: {  	_ =	shalt  }
0x5e: {  	_ =	shalt  }
0x5f: {  	_ =	shalt  }
0x60: {  	_ =	shalt  }
0x61: {  	_ =	shalt  }
0x62: {  	_ =	shalt  }
0x63: {  	_ =	shalt  }
0x64: {  	_ =	shalt  }
0x65: {  	_ =	shalt  }
0x66: {  	_ =	shalt  }
0x67: {  	_ =	shalt  }
0x68: {  	_ =	shalt  }
0x69: {  	_ =	shalt  }
0x6a: {  	_ =	shalt  }
0x6b: {  	_ =	shalt  }
0x6c: {  	_ =	shalt  }
0x6d: {  	_ =	shalt  }
0x6e: {  	_ =	shalt  }
0x6f: {  	_ =	shalt  }
0x70: {  	_ =	shalt  }
0x71: {  	_ =	shalt  }
0x72: {  	_ =	shalt  }
0x73: {  	_ =	shalt  }
0x74: {  	_ =	shalt  }
0x75: {  	_ =	shalt  }
0x76: {  	_ =	shalt  }
0x77: {  	_ =	shalt  }
0x78: {  	_ =	shalt  }
0x79: {  	_ =	shalt  }
0x7a: {  	_ =	shalt  }
0x7b: {  	_ =	shalt  }
0x7c: {  	_ =	shalt  }
0x7d: {  	_ =	shalt  }
0x7e: {  	_ =	shalt  }
0x7f: {  	_ =	shalt  }
0x80: {  	_ =	shalt  }
0x81: {  	_ =	shalt  }
0x82: {  	_ =	shalt  }
0x83: {  	_ =	shalt  }
0x84: {  	_ =	shalt  }
0x85: {  	_ =	shalt  }
0x86: {  	_ =	shalt  }
0x87: {  	_ =	shalt  }
.Lfunc_end0:
.L_simem_size_0:
called_computation.1_lowered:
.L_overlay_start_0:
0x88: {  	s2 =	sld [smem:$0x3FD9]  }
0x89: {  	s3 =	sld [smem:$0x3FFE];
	_ =	sdelay $0x1  }
0x8a: {  	s1 =	srdreg.scid  }
0x8b: {  	s0 =	sand.u32 $0x1, s1  }
0x8c: {  	s17 =	sshll.u32 s0, $0xA;
	s2 =	sadd.s32 s3, s2  }
0x8d: {  	s2 =	sadd.s32 s2, s17  }
0x8e: {  	[smem:$0x3FC3] =	sst s2  }
0x8f: {  	_ = 	snop  }
0x90: {  	s2 =	sld [smem:$0x3FD0];
	(tm) =	ssettm $0x1  }
0x91: {  	s18 =	sld [smem:$0x3FFB];
	_ =	sdelay $0x3  }
0x92: {  	_ =	strace s18  }
0x93: {  	s3 =	sld [smem:$0x3FFC];
	_ =	sdelay $0x3  }
0x94: {  	_ =	strace s3  }
0x95: {  	s3 =	sld [smem:$0x3FFD];
	_ =	sdelay $0x3  }
0x96: {  	_ =	strace s3  }
0x97: {  	_ =	strace $0x8FFFFFFF  }
0x98: {  	s19 =	sld [smem:$0x3FDB];
	_ =	sdelay $0x1  }
0x99: {  	s4 =	simm.s32 $_scs_section_size  }
0x9a: {  	s5 =	simm.s32 $_size__tile_overlayer_lowered;
	s6 =	simm.s32 $_tile_overlayer_lowered  }
0x9b: {  	s22 =	simm.s32 $0x1BFF;
	s21 =	sshll.u32 s6, $0x1;
	s3 =	sadd.s32 s4, s19  }
0x9c: {  	s7 =	simm.s32 $0x0;
	s20 =	sshll.u32 s5, $0x1;
	s5 =	sadd.s32 s21, s3  }
0x9d: {  	[timem:s7], [sflag:s22] =	dma.local [hbm:s5], s20  }
0x9e: {  	_ =	swait.ge [sflag:s22], s20  }
0x9f: {  	s4 =	ssub.s32 $0x0, s20;
	[sflag:s22] =	ssyncset.done $0x0  }
0xa0: {  	[sflag:s22] =	ssyncadd.s32 s4;
	_ =	sdelay $0x1  }
0xa1: {  	s23 =	simm.s32 $0x1B8B  }
0xa2: {  	_ =	swait.ge [sflag:s23], $0x1  }
0xa3: {  	[sflag:s23] =	ssyncset.done $0x0  }
0xa4: {  	s25 =	simm.s32 $0x1B8E;
	s24 =	sld [smem:$0x3FFE];
	[sflag:s23] =	ssyncadd.s32 $0xFFFFFFFF  }
0xa5: {  	s26 =	simm.s32 $execute0_lowered;
	[smem:$0x3FD2] =	sst s25  }
0xa6: {  	s5 =	sshll.u32 s26, $0x1;
	_ =	strace $0x80000049;
	[dreg:$0x1] =	wrdreg $0xFFFFFFFF  }
0xa7: {  	s28 =	simm.s32 $_size_execute0_lowered;
	s3 =	sadd.s32 s3, s5;
	[dreg:$0x0] =	wrdreg $0x0  }
0xa8: {  	s5 =	sshll.u32 s28, $0x1;
	[dreg:$0x2] =	wrdreg s3  }
0xa9: {  	[dreg:$0x3] =	wrdreg s5  }
0xaa: {  	[dreg:$0x4] =	wrdreg $0xC0  }
0xab: {  	_ =	task [dreg:s7], $0x5FFFF  }
0xac: {  	[dreg:$0x1] =	wrdreg $0xFFFFFFFF  }
0xad: {  	[dreg:$0x0] =	wrdreg $0x60  }
0xae: {  	[dreg:$0x2] =	wrdreg s24  }
0xaf: {  	[dreg:$0x3] =	wrdreg s2  }
0xb0: {  	[dreg:$0x4] =	wrdreg $0x9  }
0xb1: {  	_ =	task.clear_ibuf [dreg:s7], $0x5FFFF;
	_ =	strace $0x90000049  }
0xb2: {  	s29 =	simm.s32 $0x9;
	_ =	strace $0x8000004B  }
0xb3: {  	_ =	swait.ge [sflag:s29], $0x1  }
0xb4: {  	[sflag:s29] =	ssyncadd.s32 $0xFFFFFFFF  }
0xb5: {  	_ =	strace $0x9000004B  }
0xb6: {  	_ =	sfence  }
0xb7: {  	s30 =	sld [smem:$0x0];
	_ =	sdelay $0x2  }
0xb8: {  	s31 =	sshll.u32 s1, $0xD;
	s1 =	sshrl.u32 s1, $0x2  }
0xb9: {  	s3 =	sand.u32 $0x4000, s31;
	s1 =	sadd.s32 s1, s30  }
0xba: {  	s0 =	sor.u32 s3, s0;
	s1 =	sshll.u32 s1, $0x11  }
0xbb: {  	s0 =	sor.u32 s1, s0  }
0xbc: {  	s0 =	sadd.s32 $0x8F2B, s0  }
0xbd: {  	[sflag:s0] =	ssyncadd.remote.s32 $0x1  }
0xbe: {  	_ =	sfence.sel $0xFFFF  }
0xbf: {  	[dreg:$0x0] =	wrdreg $0xFFFFFFFF;
	(pc) =	sbr.abs _section_cstart, $3  }
0xc0: {  	[dreg:$0x1] =	wrdreg $0xFFFFFFFF  }
0xc1: {  	_ =	task.clear_ibuf [dreg:s7], $0x2FFFF;
	_ =	strace $0x9FFFFFFF  }
0xc2: {  	(tm) =	ssettm $0x7FFFFFFF  }
0xc3: {  	_ =	shalt  }
tec
execute0_lowered:
.L_overlay_start_1:
0x0: {  	(tag) =	ssettag $0x1  }
0x1: {  	s0 =	rddreg [dreg:$0x0]  }
0x2: {  	s1 =	rddreg [dreg:$0x1];
	s2 =	srdreg.scid  }
0x3: {  	s4 =	stileid.u32;
	s9 =	simm.s32 $0x2;
	s19 =	simm.s32 $0x1  }
0x4: {  	s21 =	simm.s32 $0x880;
	s22 =	simm.s32 $0x1080;
	s23 =	simm.s32 $0x1880  }
0x5: {  	s24 =	simm.s32 $0x2080;
	s28 =	simm.s32 $0x3880;
	s29 =	simm.s32 $0x4080  }
0x6: {  	s30 =	simm.s32 $0x4880;
	s31 =	simm.s32 $0x5080;
	s11 =	simm.s32 $0x6880  }
0x7: {  	s12 =	simm.s32 $0x7080;
	s13 =	simm.s32 $0x7880;
	s14 =	simm.s32 $0x8880  }
0x8: {  	s15 =	simm.s32 $0x9080;
	s16 =	simm.s32 $0x9880;
	s17 =	simm.s32 $0xA080  }
0x9: {  	s18 =	simm.s32 $0xA880;
	s10 =	simm.s32 $0xB080;
	s3 =	sand.u32 $0x1, s2  }
0xa: {  	s2 =	simm.s32 $0x0;
	s4 =	sshll.u32 s4, $0x8;
	s5 =	sshll.u32 s3, $0x7  }
0xb: {  	[smem:$0x7FF] =	sst s2;
	s6 =	ssub.s32 $0x2, s3;
	s3 =	sadd.s32 $0x91400, s0  }
0xc: {  	s4 =	sor.u32 s5, s4;
	_ =	strace $0x8000004A;
	s7 =	sshrl.u32 s6, $0x1  }
0xd: {  	s5 =	sshrl.u32 s4, $0x3;
	s8 =	ssub.s32 s6, s7;
	s25 =	sshll.u32 s4, $0x7  }
0xe: {  	s4 =	sadd.s32 $0x91500, s0;
	s6 =	sadd.s32 $0x91600, s0;
	s7 =	sadd.s32 $0x91700, s0  }
0xf: {  	s5 =	sadd.s32 s5, s0;
	s1 =	sadd.s32 s1, s25;
	s8 =	smax.u32 s8, $0x1  }
0x10: {  	v2 =	vlaneseq.u32;
	s0 =	simm.s32 $0x80;
	s5 =	sadd.s32 $0x1400, s5;
	[dreg:$0x5] =	wrdreg s1  }
0x11: {  	vm0 =	vmmov $0xffff;
	v1 =	vshrl.u32 v2, $0x3;
	s25 =	simm.s32 $0x2880;
	s26 =	sadd.s32 $0x2000, s1;
	[dreg:$0x3] =	wrdreg s5  }
0x12: {  	v0 =	vand.u32 $0x7, v2;
	v2 =	vor.u32 $0x8, v2;
	v1 =	vmul.u32 $0x8, v1;
	[dreg:$0x4] =	wrdreg s26;
	s26 =	simm.s32 $0x3080;
	s5 =	simm.s32 $0x8080  }
.LBB2_1:
0x13: {  	s20 =	rddreg [dreg:$0x3]  }
0x14: {  	[tilespmem:s2], [sflag:$0x2] =	stream.linear.gather [hbm4b:s20+s2], $0x80, $0x38;
	[tilespmem:$0x10080] =	vst v63  }
0x15: {  	_ =	swait.ge [sflag:s9], $0x80  }
0x16: {  	[sflag:s9] =	ssyncset.done $0x0  }
0x17: {  	[sflag:s9] =	ssyncadd.s32 $0xFFFFFF80  }
0x18: {  	v3 =	vld [tilespmem:$0x0];
	_ =	sdelay $0x4  }
0x19: {  	v4 =	vshll.u32 v3, $0x3  }
0x1a: {  	v3 =	vand.u32 $0x7, v3;
	v4 =	vand.u32 $0xFFFFFFC0, v4  }
0x1b: {  	v3 =	vor.u32 v3, v4  }
0x1c: {  	v4 =	vperm.xlane v3, v0;
	_ =	sdelay $0x1  }
0x1d: {  	v4 =	vadd.s32 v1, v4;
	_ =	sdelay $0x4  }
0x1e: {  	[tilespmem:s0], [sflag:$0x1] =	stream.indirect_vreg.gather [hbm4b:s3+s2], $0x80, v4, vm0, $0xb8;
	[tilespmem:$0x10080] =	vst v63  }
0x1f: {  	v3 =	vperm.xlane v3, v2  }
0x20: {  	[tilespmem:s21], [sflag:$0x1] =	stream.indirect_vreg.gather [hbm4b:s4+s2], $0x80, v4, vm0, $0xb8;
	[tilespmem:$0x10080] =	vst v63  }
0x21: {  	v3 =	vadd.s32 v1, v3  }
0x22: {  	[tilespmem:s22], [sflag:$0x1] =	stream.indirect_vreg.gather [hbm4b:s6+s2], $0x80, v4, vm0, $0xb8;
	[tilespmem:$0x10080] =	vst v63  }
0x23: {  	_ = 	snop  }
0x24: {  	[tilespmem:s23], [sflag:$0x1] =	stream.indirect_vreg.gather [hbm4b:s7+s2], $0x80, v4, vm0, $0xb8;
	[tilespmem:$0x10080] =	vst v63  }
0x25: {  	_ = 	snop  }
0x26: {  	[tilespmem:s24], [sflag:$0x1] =	stream.indirect_vreg.gather [hbm4b:s3+s2], $0x80, v3, vm0, $0xb8;
	[tilespmem:$0x10080] =	vst v63  }
0x27: {  	_ = 	snop  }
0x28: {  	[tilespmem:s25], [sflag:$0x1] =	stream.indirect_vreg.gather [hbm4b:s4+s2], $0x80, v3, vm0, $0xb8;
	[tilespmem:$0x10080] =	vst v63  }
0x29: {  	_ = 	snop  }
0x2a: {  	[tilespmem:s26], [sflag:$0x1] =	stream.indirect_vreg.gather [hbm4b:s6+s2], $0x80, v3, vm0, $0xb8;
	[tilespmem:$0x10080] =	vst v63  }
0x2b: {  	_ = 	snop  }
0x2c: {  	[tilespmem:s28], [sflag:$0x1] =	stream.indirect_vreg.gather [hbm4b:s7+s2], $0x80, v3, vm0, $0xb8;
	[tilespmem:$0x10080] =	vst v63  }
0x2d: {  	v3 =	vld [tilespmem:$0x10];
	_ =	sdelay $0x4  }
0x2e: {  	v57 =	vshll.u32 v3, $0x3  }
0x2f: {  	v3 =	vand.u32 $0x7, v3;
	v4 =	vand.u32 $0xFFFFFFC0, v57  }
0x30: {  	v3 =	vor.u32 v3, v4  }
0x31: {  	v4 =	vperm.xlane v3, v0;
	_ =	sdelay $0x1  }
0x32: {  	v4 =	vadd.s32 v1, v4;
	_ =	sdelay $0x4  }
0x33: {  	[tilespmem:s29], [sflag:$0x1] =	stream.indirect_vreg.gather [hbm4b:s3+s2], $0x80, v4, vm0, $0xb8;
	[tilespmem:$0x10080] =	vst v63  }
0x34: {  	v3 =	vperm.xlane v3, v2  }
0x35: {  	[tilespmem:s30], [sflag:$0x1] =	stream.indirect_vreg.gather [hbm4b:s4+s2], $0x80, v4, vm0, $0xb8;
	[tilespmem:$0x10080] =	vst v63  }
0x36: {  	v3 =	vadd.s32 v1, v3  }
0x37: {  	[tilespmem:s31], [sflag:$0x1] =	stream.indirect_vreg.gather [hbm4b:s6+s2], $0x80, v4, vm0, $0xb8;
	[tilespmem:$0x10080] =	vst v63  }
0x38: {  	s1 =	simm.s32 $0x5880  }
0x39: {  	[tilespmem:s1], [sflag:$0x1] =	stream.indirect_vreg.gather [hbm4b:s7+s2], $0x80, v4, vm0, $0xb8;
	[tilespmem:$0x10080] =	vst v63  }
0x3a: {  	s1 =	simm.s32 $0x6080  }
0x3b: {  	[tilespmem:s1], [sflag:$0x1] =	stream.indirect_vreg.gather [hbm4b:s3+s2], $0x80, v3, vm0, $0xb8;
	[tilespmem:$0x10080] =	vst v63  }
0x3c: {  	_ = 	snop  }
0x3d: {  	[tilespmem:s11], [sflag:$0x1] =	stream.indirect_vreg.gather [hbm4b:s4+s2], $0x80, v3, vm0, $0xb8;
	[tilespmem:$0x10080] =	vst v63  }
0x3e: {  	_ = 	snop  }
0x3f: {  	[tilespmem:s12], [sflag:$0x1] =	stream.indirect_vreg.gather [hbm4b:s6+s2], $0x80, v3, vm0, $0xb8;
	[tilespmem:$0x10080] =	vst v63  }
0x40: {  	_ = 	snop  }
0x41: {  	[tilespmem:s13], [sflag:$0x1] =	stream.indirect_vreg.gather [hbm4b:s7+s2], $0x80, v3, vm0, $0xb8;
	[tilespmem:$0x10080] =	vst v63  }
0x42: {  	v3 =	vld [tilespmem:$0x20];
	_ =	sdelay $0x4  }
0x43: {  	v58 =	vshll.u32 v3, $0x3  }
0x44: {  	v3 =	vand.u32 $0x7, v3;
	v4 =	vand.u32 $0xFFFFFFC0, v58  }
0x45: {  	v3 =	vor.u32 v3, v4  }
0x46: {  	v4 =	vperm.xlane v3, v0;
	_ =	sdelay $0x1  }
0x47: {  	v4 =	vadd.s32 v1, v4;
	_ =	sdelay $0x4  }
0x48: {  	[tilespmem:s5], [sflag:$0x1] =	stream.indirect_vreg.gather [hbm4b:s3+s2], $0x80, v4, vm0, $0xb8;
	[tilespmem:$0x10080] =	vst v63  }
0x49: {  	v3 =	vperm.xlane v3, v2  }
0x4a: {  	[tilespmem:s14], [sflag:$0x1] =	stream.indirect_vreg.gather [hbm4b:s4+s2], $0x80, v4, vm0, $0xb8;
	[tilespmem:$0x10080] =	vst v63  }
0x4b: {  	v3 =	vadd.s32 v1, v3  }
0x4c: {  	[tilespmem:s15], [sflag:$0x1] =	stream.indirect_vreg.gather [hbm4b:s6+s2], $0x80, v4, vm0, $0xb8;
	[tilespmem:$0x10080] =	vst v63  }
0x4d: {  	_ = 	snop  }
0x4e: {  	[tilespmem:s16], [sflag:$0x1] =	stream.indirect_vreg.gather [hbm4b:s7+s2], $0x80, v4, vm0, $0xb8;
	[tilespmem:$0x10080] =	vst v63  }
0x4f: {  	_ = 	snop  }
0x50: {  	[tilespmem:s17], [sflag:$0x1] =	stream.indirect_vreg.gather [hbm4b:s3+s2], $0x80, v3, vm0, $0xb8;
	[tilespmem:$0x10080] =	vst v63  }
0x51: {  	_ = 	snop  }
0x52: {  	[tilespmem:s18], [sflag:$0x1] =	stream.indirect_vreg.gather [hbm4b:s4+s2], $0x80, v3, vm0, $0xb8;
	[tilespmem:$0x10080] =	vst v63  }
0x53: {  	_ = 	snop  }
0x54: {  	[tilespmem:s10], [sflag:$0x1] =	stream.indirect_vreg.gather [hbm4b:s6+s2], $0x80, v3, vm0, $0xb8;
	[tilespmem:$0x10080] =	vst v63  }
0x55: {  	s20 =	simm.s32 $0xB880  }
0x56: {  	[tilespmem:s20], [sflag:$0x1] =	stream.indirect_vreg.gather [hbm4b:s7+s2], $0x80, v3, vm0, $0xb8;
	[tilespmem:$0x10080] =	vst v63  }
0x57: {  	v3 =	vld [tilespmem:$0x30];
	_ =	sdelay $0x4  }
0x58: {  	v59 =	vshll.u32 v3, $0x3  }
0x59: {  	v3 =	vand.u32 $0x7, v3;
	v4 =	vand.u32 $0xFFFFFFC0, v59  }
0x5a: {  	v3 =	vor.u32 v3, v4  }
0x5b: {  	v4 =	vperm.xlane v3, v0;
	_ =	sdelay $0x1  }
0x5c: {  	v4 =	vadd.s32 v1, v4;
	_ =	sdelay $0x3  }
0x5d: {  	s20 =	simm.s32 $0xC080  }
0x5e: {  	[tilespmem:s20], [sflag:$0x1] =	stream.indirect_vreg.gather [hbm4b:s3+s2], $0x80, v4, vm0, $0xb8;
	[tilespmem:$0x10080] =	vst v63  }
0x5f: {  	v3 =	vperm.xlane v3, v2;
	s20 =	simm.s32 $0xC880  }
0x60: {  	[tilespmem:s20], [sflag:$0x1] =	stream.indirect_vreg.gather [hbm4b:s4+s2], $0x80, v4, vm0, $0xb8;
	[tilespmem:$0x10080] =	vst v63  }
0x61: {  	v3 =	vadd.s32 v1, v3;
	s20 =	simm.s32 $0xD080  }
0x62: {  	[tilespmem:s20], [sflag:$0x1] =	stream.indirect_vreg.gather [hbm4b:s6+s2], $0x80, v4, vm0, $0xb8;
	[tilespmem:$0x10080] =	vst v63  }
0x63: {  	s20 =	simm.s32 $0xD880  }
0x64: {  	[tilespmem:s20], [sflag:$0x1] =	stream.indirect_vreg.gather [hbm4b:s7+s2], $0x80, v4, vm0, $0xb8;
	[tilespmem:$0x10080] =	vst v63  }
0x65: {  	s20 =	simm.s32 $0xE080  }
0x66: {  	[tilespmem:s20], [sflag:$0x1] =	stream.indirect_vreg.gather [hbm4b:s3+s2], $0x80, v3, vm0, $0xb8;
	[tilespmem:$0x10080] =	vst v63  }
0x67: {  	s20 =	simm.s32 $0xE880  }
0x68: {  	[tilespmem:s20], [sflag:$0x1] =	stream.indirect_vreg.gather [hbm4b:s4+s2], $0x80, v3, vm0, $0xb8;
	[tilespmem:$0x10080] =	vst v63  }
0x69: {  	s20 =	simm.s32 $0xF080  }
0x6a: {  	[tilespmem:s20], [sflag:$0x1] =	stream.indirect_vreg.gather [hbm4b:s6+s2], $0x80, v3, vm0, $0xb8;
	[tilespmem:$0x10080] =	vst v63  }
0x6b: {  	s20 =	simm.s32 $0xF880  }
0x6c: {  	[tilespmem:s20], [sflag:$0x1] =	stream.indirect_vreg.gather [hbm4b:s7+s2], $0x80, v3, vm0, $0xb8;
	[tilespmem:$0x10080] =	vst v63  }
0x6d: {  	_ =	swait.ge [sflag:s19], $0x10000  }
0x6e: {  	[sflag:s19] =	ssyncset.done $0x0  }
0x6f: {  	s20 =	rddreg [dreg:$0x5];
	[sflag:s19] =	ssyncadd.s32 $0xFFFF0000  }
0x70: {  	[hbm4b:s20+s2] =	stream.linear.scatter [tilespmem:s0], [sflag:$0x2], $0x10000, $0x38;
	[tilespmem:$0x10080] =	vst v63  }
0x71: {  	_ =	swait.ge [sflag:s9], $0x10000  }
0x72: {  	[sflag:s9] =	ssyncset.done $0x0  }
0x73: {  	[sflag:s9] =	ssyncadd.s32 $0xFFFF0000  }
0x74: {  	v3 =	vld [tilespmem:$0x40];
	_ =	sdelay $0x4  }
0x75: {  	v60 =	vshll.u32 v3, $0x3  }
0x76: {  	v3 =	vand.u32 $0x7, v3;
	v4 =	vand.u32 $0xFFFFFFC0, v60  }
0x77: {  	v3 =	vor.u32 v3, v4  }
0x78: {  	v4 =	vperm.xlane v3, v0;
	_ =	sdelay $0x1  }
0x79: {  	v4 =	vadd.s32 v1, v4;
	_ =	sdelay $0x4  }
0x7a: {  	[tilespmem:s0], [sflag:$0x1] =	stream.indirect_vreg.gather [hbm4b:s3+s2], $0x80, v4, vm0, $0xb8;
	[tilespmem:$0x10080] =	vst v63  }
0x7b: {  	v3 =	vperm.xlane v3, v2  }
0x7c: {  	[tilespmem:s21], [sflag:$0x1] =	stream.indirect_vreg.gather [hbm4b:s4+s2], $0x80, v4, vm0, $0xb8;
	[tilespmem:$0x10080] =	vst v63  }
0x7d: {  	v3 =	vadd.s32 v1, v3  }
0x7e: {  	[tilespmem:s22], [sflag:$0x1] =	stream.indirect_vreg.gather [hbm4b:s6+s2], $0x80, v4, vm0, $0xb8;
	[tilespmem:$0x10080] =	vst v63  }
0x7f: {  	_ = 	snop  }
0x80: {  	[tilespmem:s23], [sflag:$0x1] =	stream.indirect_vreg.gather [hbm4b:s7+s2], $0x80, v4, vm0, $0xb8;
	[tilespmem:$0x10080] =	vst v63  }
0x81: {  	_ = 	snop  }
0x82: {  	[tilespmem:s24], [sflag:$0x1] =	stream.indirect_vreg.gather [hbm4b:s3+s2], $0x80, v3, vm0, $0xb8;
	[tilespmem:$0x10080] =	vst v63  }
0x83: {  	_ = 	snop  }
0x84: {  	[tilespmem:s25], [sflag:$0x1] =	stream.indirect_vreg.gather [hbm4b:s4+s2], $0x80, v3, vm0, $0xb8;
	[tilespmem:$0x10080] =	vst v63  }
0x85: {  	_ = 	snop  }
0x86: {  	[tilespmem:s26], [sflag:$0x1] =	stream.indirect_vreg.gather [hbm4b:s6+s2], $0x80, v3, vm0, $0xb8;
	[tilespmem:$0x10080] =	vst v63  }
0x87: {  	_ = 	snop  }
0x88: {  	[tilespmem:s28], [sflag:$0x1] =	stream.indirect_vreg.gather [hbm4b:s7+s2], $0x80, v3, vm0, $0xb8;
	[tilespmem:$0x10080] =	vst v63  }
0x89: {  	v3 =	vld [tilespmem:$0x50];
	_ =	sdelay $0x4  }
0x8a: {  	v61 =	vshll.u32 v3, $0x3  }
0x8b: {  	v3 =	vand.u32 $0x7, v3;
	v4 =	vand.u32 $0xFFFFFFC0, v61  }
0x8c: {  	v3 =	vor.u32 v3, v4  }
0x8d: {  	v4 =	vperm.xlane v3, v0;
	_ =	sdelay $0x1  }
0x8e: {  	v4 =	vadd.s32 v1, v4;
	_ =	sdelay $0x4  }
0x8f: {  	[tilespmem:s29], [sflag:$0x1] =	stream.indirect_vreg.gather [hbm4b:s3+s2], $0x80, v4, vm0, $0xb8;
	[tilespmem:$0x10080] =	vst v63  }
0x90: {  	v3 =	vperm.xlane v3, v2  }
0x91: {  	[tilespmem:s30], [sflag:$0x1] =	stream.indirect_vreg.gather [hbm4b:s4+s2], $0x80, v4, vm0, $0xb8;
	[tilespmem:$0x10080] =	vst v63  }
0x92: {  	v3 =	vadd.s32 v1, v3  }
0x93: {  	[tilespmem:s31], [sflag:$0x1] =	stream.indirect_vreg.gather [hbm4b:s6+s2], $0x80, v4, vm0, $0xb8;
	[tilespmem:$0x10080] =	vst v63  }
0x94: {  	s20 =	simm.s32 $0x5880  }
0x95: {  	[tilespmem:s20], [sflag:$0x1] =	stream.indirect_vreg.gather [hbm4b:s7+s2], $0x80, v4, vm0, $0xb8;
	[tilespmem:$0x10080] =	vst v63  }
0x96: {  	_ = 	snop  }
0x97: {  	[tilespmem:s1], [sflag:$0x1] =	stream.indirect_vreg.gather [hbm4b:s3+s2], $0x80, v3, vm0, $0xb8;
	[tilespmem:$0x10080] =	vst v63  }
0x98: {  	_ = 	snop  }
0x99: {  	[tilespmem:s11], [sflag:$0x1] =	stream.indirect_vreg.gather [hbm4b:s4+s2], $0x80, v3, vm0, $0xb8;
	[tilespmem:$0x10080] =	vst v63  }
0x9a: {  	_ = 	snop  }
0x9b: {  	[tilespmem:s12], [sflag:$0x1] =	stream.indirect_vreg.gather [hbm4b:s6+s2], $0x80, v3, vm0, $0xb8;
	[tilespmem:$0x10080] =	vst v63  }
0x9c: {  	_ = 	snop  }
0x9d: {  	[tilespmem:s13], [sflag:$0x1] =	stream.indirect_vreg.gather [hbm4b:s7+s2], $0x80, v3, vm0, $0xb8;
	[tilespmem:$0x10080] =	vst v63  }
0x9e: {  	v3 =	vld [tilespmem:$0x60];
	_ =	sdelay $0x4  }
0x9f: {  	v62 =	vshll.u32 v3, $0x3  }
0xa0: {  	v3 =	vand.u32 $0x7, v3;
	v4 =	vand.u32 $0xFFFFFFC0, v62  }
0xa1: {  	v3 =	vor.u32 v3, v4  }
0xa2: {  	v4 =	vperm.xlane v3, v0;
	_ =	sdelay $0x1  }
0xa3: {  	v4 =	vadd.s32 v1, v4;
	_ =	sdelay $0x4  }
0xa4: {  	[tilespmem:s5], [sflag:$0x1] =	stream.indirect_vreg.gather [hbm4b:s3+s2], $0x80, v4, vm0, $0xb8;
	[tilespmem:$0x10080] =	vst v63  }
0xa5: {  	v3 =	vperm.xlane v3, v2  }
0xa6: {  	[tilespmem:s14], [sflag:$0x1] =	stream.indirect_vreg.gather [hbm4b:s4+s2], $0x80, v4, vm0, $0xb8;
	[tilespmem:$0x10080] =	vst v63  }
0xa7: {  	v3 =	vadd.s32 v1, v3  }
0xa8: {  	[tilespmem:s15], [sflag:$0x1] =	stream.indirect_vreg.gather [hbm4b:s6+s2], $0x80, v4, vm0, $0xb8;
	[tilespmem:$0x10080] =	vst v63  }
0xa9: {  	_ = 	snop  }
0xaa: {  	[tilespmem:s16], [sflag:$0x1] =	stream.indirect_vreg.gather [hbm4b:s7+s2], $0x80, v4, vm0, $0xb8;
	[tilespmem:$0x10080] =	vst v63  }
0xab: {  	_ = 	snop  }
0xac: {  	[tilespmem:s17], [sflag:$0x1] =	stream.indirect_vreg.gather [hbm4b:s3+s2], $0x80, v3, vm0, $0xb8;
	[tilespmem:$0x10080] =	vst v63  }
0xad: {  	_ = 	snop  }
0xae: {  	[tilespmem:s18], [sflag:$0x1] =	stream.indirect_vreg.gather [hbm4b:s4+s2], $0x80, v3, vm0, $0xb8;
	[tilespmem:$0x10080] =	vst v63  }
0xaf: {  	_ = 	snop  }
0xb0: {  	[tilespmem:s10], [sflag:$0x1] =	stream.indirect_vreg.gather [hbm4b:s6+s2], $0x80, v3, vm0, $0xb8;
	[tilespmem:$0x10080] =	vst v63  }
0xb1: {  	s20 =	simm.s32 $0xB880  }
0xb2: {  	[tilespmem:s20], [sflag:$0x1] =	stream.indirect_vreg.gather [hbm4b:s7+s2], $0x80, v3, vm0, $0xb8;
	[tilespmem:$0x10080] =	vst v63  }
0xb3: {  	v3 =	vld [tilespmem:$0x70];
	_ =	sdelay $0x4  }
0xb4: {  	v63 =	vshll.u32 v3, $0x3  }
0xb5: {  	v3 =	vand.u32 $0x7, v3;
	v4 =	vand.u32 $0xFFFFFFC0, v63  }
0xb6: {  	v3 =	vor.u32 v3, v4  }
0xb7: {  	v4 =	vperm.xlane v3, v0;
	_ =	sdelay $0x1  }
0xb8: {  	v4 =	vadd.s32 v1, v4;
	_ =	sdelay $0x3  }
0xb9: {  	s20 =	simm.s32 $0xC080  }
0xba: {  	[tilespmem:s20], [sflag:$0x1] =	stream.indirect_vreg.gather [hbm4b:s3+s2], $0x80, v4, vm0, $0xb8;
	[tilespmem:$0x10080] =	vst v63  }
0xbb: {  	v3 =	vperm.xlane v3, v2;
	s20 =	simm.s32 $0xC880  }
0xbc: {  	[tilespmem:s20], [sflag:$0x1] =	stream.indirect_vreg.gather [hbm4b:s4+s2], $0x80, v4, vm0, $0xb8;
	[tilespmem:$0x10080] =	vst v63  }
0xbd: {  	v3 =	vadd.s32 v1, v3;
	s20 =	simm.s32 $0xD080  }
0xbe: {  	[tilespmem:s20], [sflag:$0x1] =	stream.indirect_vreg.gather [hbm4b:s6+s2], $0x80, v4, vm0, $0xb8;
	[tilespmem:$0x10080] =	vst v63  }
0xbf: {  	s20 =	simm.s32 $0xD880  }
0xc0: {  	[tilespmem:s20], [sflag:$0x1] =	stream.indirect_vreg.gather [hbm4b:s7+s2], $0x80, v4, vm0, $0xb8;
	[tilespmem:$0x10080] =	vst v63  }
0xc1: {  	s20 =	simm.s32 $0xE080  }
0xc2: {  	[tilespmem:s20], [sflag:$0x1] =	stream.indirect_vreg.gather [hbm4b:s3+s2], $0x80, v3, vm0, $0xb8;
	[tilespmem:$0x10080] =	vst v63  }
0xc3: {  	s20 =	simm.s32 $0xE880  }
0xc4: {  	[tilespmem:s20], [sflag:$0x1] =	stream.indirect_vreg.gather [hbm4b:s4+s2], $0x80, v3, vm0, $0xb8;
	[tilespmem:$0x10080] =	vst v63  }
0xc5: {  	s20 =	simm.s32 $0xF080  }
0xc6: {  	[tilespmem:s20], [sflag:$0x1] =	stream.indirect_vreg.gather [hbm4b:s6+s2], $0x80, v3, vm0, $0xb8;
	[tilespmem:$0x10080] =	vst v63  }
0xc7: {  	s20 =	simm.s32 $0xF880  }
0xc8: {  	[tilespmem:s20], [sflag:$0x1] =	stream.indirect_vreg.gather [hbm4b:s7+s2], $0x80, v3, vm0, $0xb8;
	[tilespmem:$0x10080] =	vst v63  }
0xc9: {  	_ =	swait.ge [sflag:s19], $0x10000  }
0xca: {  	p0 =	sne.s32 s8, $0x1;
	[sflag:s19] =	ssyncset.done $0x0  }
.Ltmp0:
0xcb: {  	s1 =	rddreg [dreg:$0x4];
	[sflag:s19] =	ssyncadd.s32 $0xFFFF0000;
	(pc) =	sbr.rel @p0 .LBB2_1-.Ltmp0, $4  }
0xcc: {  	[hbm4b:s1+s2] =	stream.linear.scatter [tilespmem:s0], [sflag:$0x2], $0x10000, $0x38;
	[tilespmem:$0x10080] =	vst v63  }
0xcd: {  	_ =	swait.ge [sflag:s9], $0x10000  }
0xce: {  	[sflag:s9] =	ssyncset.done $0x0  }
0xcf: {  	s8 =	sadd.s32 $0xFFFFFFFF, s8;
	[sflag:s9] =	ssyncadd.s32 $0xFFFF0000  }
0xd0: {  	_ =	sfence.sel $0x180000  }
0xd1: {  	[bflag:$0x0] =	sbarrier.arrive $0xFFFF  }
0xd2: {  	_ =	strace $0x9000004A  }
0xd3: {  	s0 =	stileid.u32;
	[bflag:$0x2] =	sbarrier.arrive $0xFFFF  }
0xd4: {  	p0 =	sne.s32 s0, $0x0;
	s0 =	rddreg [dreg:$0x2]  }
0xd5: {  	s0 =	sadd.s32 @!p0 $0x100000, s0  }
0xd6: {  	[sflag:s0] =	ssyncadd.tile.s32 @!p0 $0x1;
	_ =	shalt  }
.Lfunc_end2:
_tile_overlayer_lowered:
.L_overlay_start_2:
0xd7: {  	(tag) =	ssettag $0x2  }
0xd8: {  	s0 =	rddreg [dreg:$0x0];
	s2 =	stileid.u32  }
0xd9: {  	s1 =	rddreg [dreg:$0x1];
	p0 =	sne.s32 s2, $0x0  }
0xda: {  	s3 =	rddreg [dreg:$0x2];
	[bflag:$0x3] =	sbarrier.arrive $0xFFFF;
	s2 =	simm.s32 @!p0 $0x1C02  }
0xdb: {  	[timem:s3], [sflag:s2] =	dma.local @!p0 [hbm:s0], s1  }
0xdc: {  	s0 =	simm.s32 @!p0 $0x2  }
0xdd: {  	_ =	swait.ge @!p0 [sflag:s0], s1  }
0xde: {  	s1 =	ssub.s32 @!p0 $0x0, s1;
	[sflag:s0] =	ssyncset.done @!p0 $0x0  }
0xdf: {  	[sflag:s0] =	ssyncadd.s32 @!p0 s1  }
0xe0: {  	[bflag:$0x3] =	sbarrier.arrive $0xFFFF  }
0xe1: {  	_ =	shalt  }

</sc_bundles>
